<compile_context>
chip_gen: v7x
topology: tpu7x:2x2x1
jax: 0.10.2.dev20260603
libtpu: 0.0.44.dev20260713+nightly
codegen_flags: <defaults>
</compile_context>

<pallas_src>
import functools

import jax
import jax.numpy as jnp
from jax import lax
from jax.experimental import pallas as pl
from jax.experimental.pallas import tpu as pltpu
from jax.experimental.pallas import tpu_sc as plsc

VOCAB_N = 100000
EMBED_D = 64
BATCH_B = 1024
CTX_W = 20

_NC = 2
_NS = 16
_NW = _NC * _NS
_ROWS_W = BATCH_B * CTX_W // _NW
_IDX_CH = _ROWS_W // 128
_B_W = BATCH_B // _NW


def _pool_body(xin_hbm, emb_hbm, out_hbm, idx_v, rows_v, acc_v, sem):
    wid = lax.axis_index("s") * _NC + lax.axis_index("c")
    for j in range(_IDX_CH):
        pltpu.sync_copy(
            xin_hbm.at[pl.ds(wid * _ROWS_W + j * 128, 128)], idx_v.at[j]
        )
    copies = [
        pltpu.async_copy(
            emb_hbm.at[idx_v.at[j]],
            rows_v.at[pl.ds(j * 128, 128)],
            sem,
        )
        for j in range(_IDX_CH)
    ]
    for c in copies:
        c.wait()

    def body(b, carry):
        r0 = b * CTX_W
        for k in range(EMBED_D // 16):
            acc = rows_v[r0, pl.ds(k * 16, 16)]
            for j in range(1, CTX_W):
                acc = acc + rows_v[r0 + j, pl.ds(k * 16, 16)]
            acc_v[b, pl.ds(k * 16, 16)] = acc
        return carry

    lax.fori_loop(0, _B_W, body, 0)
    pltpu.sync_copy(acc_v, out_hbm.at[pl.ds(wid * _B_W, _B_W)])


@functools.cache
def _build_pool():
    return pl.kernel(
        _pool_body,
        out_type=jax.ShapeDtypeStruct((BATCH_B, EMBED_D), jnp.float32),
        mesh=plsc.VectorSubcoreMesh(core_axis_name="c", subcore_axis_name="s"),
        scratch_types=[
            pltpu.VMEM((_IDX_CH, 128), jnp.int32),
            pltpu.VMEM((_ROWS_W, EMBED_D), jnp.float32),
            pltpu.VMEM((_B_W, EMBED_D), jnp.float32),
            pltpu.SemaphoreType.DMA,
        ],
        compiler_params=pltpu.CompilerParams(use_tc_tiling_on_sc=False),
    )


_N_BLK = 2048
_N_GRID = (VOCAB_N + _N_BLK - 1) // _N_BLK


def _mm_body(x_ref, wt_ref, b_ref, o_ref):
    yt = lax.dot_general(
        wt_ref[...].astype(jnp.bfloat16),
        x_ref[...].astype(jnp.bfloat16),
        (((0,), (1,)), ((), ())),
        preferred_element_type=jnp.float32,
    )
    o_ref[...] = yt + b_ref[...][:, None]


def _matmul_t(x_sum, fc1_wt, fc1_b):
    return pl.pallas_call(
        _mm_body,
        grid=(_N_GRID,),
        in_specs=[
            pl.BlockSpec((BATCH_B, EMBED_D), lambda i: (0, 0)),
            pl.BlockSpec((EMBED_D, _N_BLK), lambda i: (0, i)),
            pl.BlockSpec((_N_BLK,), lambda i: (i,)),
        ],
        out_specs=pl.BlockSpec((_N_BLK, BATCH_B), lambda i: (i, 0)),
        out_shape=jax.ShapeDtypeStruct((VOCAB_N, BATCH_B), jnp.float32),
    )(x_sum, fc1_wt, fc1_b)


def kernel(x_in, embedding, fc1_w, fc1_b):
    x_idx = x_in.astype(jnp.int32).reshape(BATCH_B * CTX_W)
    x_sum = _build_pool()(x_idx, embedding)
    return _matmul_t(x_sum, fc1_w.T, fc1_b).T

# --- scband reference (transcript-rebuilt; emitter-appended) ---
"""Pipeline reference for scband-cbowclassifier-9448928051468 (READ-ONLY COPY).

The authoritative reference and input builder live on the scoring server;
editing this copy changes nothing except your own understanding.
"""

import jax, jax.numpy as jnp
import numpy as np

VOCAB = 100000
EMBED = 64
BATCH = 1024
CTX = 20

def setup_inputs(seed: int = 0) -> dict:
    key = jax.random.key(seed)
    k1, k2, k3 = jax.random.split(key, 3)
    x_in = jax.random.randint(k1, (BATCH, CTX), 0, VOCAB, dtype=jnp.int64 if jax.config.jax_enable_x64 else jnp.int32)
    embedding = jax.random.normal(k2, (VOCAB, EMBED), dtype=jnp.float32) * 0.02
    embedding = embedding.at[0].set(0.0)  # padding_idx=0 row is zeros
    fc1_w = jax.random.normal(k3, (VOCAB, EMBED), dtype=jnp.float32) * 0.02
    fc1_b = jnp.zeros((VOCAB,), dtype=jnp.float32)
    return {"x_in": x_in, "embedding": embedding, "fc1_w": fc1_w, "fc1_b": fc1_b}

def reference(x_in, embedding, fc1_w, fc1_b):
    # embedding lookup (SparseCore gather) -> [B, CTX, D]
    x_emb = jnp.take(embedding, x_in, axis=0)
    # sum over context window -> [B, D]
    x_sum = jnp.sum(x_emb, axis=1)
    # F.dropout in eval / deterministic mode is identity (see notes)
    # fc1: Linear(EMBED -> VOCAB)
    y_out = x_sum @ fc1_w.T + fc1_b
    return y_out

if __name__ == "__main__":
    import jax
    _d = setup_inputs()
    print(jax.jit(kernel)(*tuple(_d.values())))

</pallas_src>

<mosaic_0001>
#map = affine_map<(d0, d1) -> (0)>
#map1 = affine_map<(d0, d1) -> (0, 0)>
module attributes {stable_mosaic.version = 14 : i64} {
  func.func @_pool_body(%arg0: i32, %arg1: i32, %arg2: memref<20480xi32, #tpu.memory_space<hbm>>, %arg3: memref<100000x64xf32, #tpu.memory_space<hbm>>, %arg4: memref<1024x64xf32, #tpu.memory_space<hbm>>, %arg5: memref<5x128xi32, #tpu.memory_space<vmem>>, %arg6: memref<640x64xf32, #tpu.memory_space<vmem>>, %arg7: memref<32x64xf32, #tpu.memory_space<vmem>>, %arg8: memref<!tpu.dma_semaphore, #tpu.memory_space<semaphore_mem>>) attributes {dimension_semantics = [#tpu.dimension_semantics<core_parallel>, #tpu.dimension_semantics<subcore_parallel>], iteration_bounds = array<i64: 2, 16>, scalar_prefetch = 0 : i64, scratch_operands = 4 : i64, tpu.core_type = #tpu.core_type<sc_vector_subcore>, window_params = [{transform_indices = #map}, {transform_indices = #map1}, {transform_indices = #map1}]} {
    %mul3A = arith.constant 2 : i32
    %mul3A_0 = arith.muli %arg1, %mul3A : i32
    %add3A = arith.addi %mul3A_0, %arg0 : i32
    %mul3A_1 = arith.constant 640 : i32
    %mul3A_2 = arith.muli %add3A, %mul3A_1 : i32
    %add3A_3 = arith.constant 0 : i32
    %add3A_4 = arith.addi %mul3A_2, %add3A_3 : i32
    %run_scoped3A = arith.constant 0 : i32
    "tpu.region"() ({
      %run_scoped3A_130 = tpu.sem_alloc : memref<!tpu.dma_semaphore, #tpu.memory_space<semaphore_mem>>
      %dma_start3A_131 = arith.constant 0 : i32
      %dma_start3A_132 = tpu.memref_slice %arg5[%run_scoped3A, %dma_start3A_131] : memref<5x128xi32, #tpu.memory_space<vmem>> -> memref<1x128xi32, #tpu.memory_space<vmem>>
      %dma_start3A_133 = tpu.memref_squeeze %dma_start3A_132 : memref<1x128xi32, #tpu.memory_space<vmem>> -> memref<128xi32, #tpu.memory_space<vmem>>
      %dma_start3A_134 = tpu.memref_slice %arg2[%add3A_4] : memref<20480xi32, #tpu.memory_space<hbm>> -> memref<128xi32, #tpu.memory_space<hbm>>
      %dma_start3A_135 = arith.constant 0 : i32
      %dma_start3A_136 = tpu.memref_slice %arg5[%run_scoped3A, %dma_start3A_135] : memref<5x128xi32, #tpu.memory_space<vmem>> -> memref<1x128xi32, #tpu.memory_space<vmem>>
      %dma_start3A_137 = tpu.memref_squeeze %dma_start3A_136 : memref<1x128xi32, #tpu.memory_space<vmem>> -> memref<128xi32, #tpu.memory_space<vmem>>
      %dma_start3A_138 = tpu.memref_slice %arg2[%add3A_4] : memref<20480xi32, #tpu.memory_space<hbm>> -> memref<128xi32, #tpu.memory_space<hbm>>
      tpu.enqueue_dma source(%dma_start3A_138 : memref<128xi32, #tpu.memory_space<hbm>>) target(%dma_start3A_137 : memref<128xi32, #tpu.memory_space<vmem>>) target_semaphore(%run_scoped3A_130 : memref<!tpu.dma_semaphore, #tpu.memory_space<semaphore_mem>>)
      %dma_wait3A_139 = arith.constant 0 : i32
      %dma_wait3A_140 = tpu.memref_slice %arg5[%run_scoped3A, %dma_wait3A_139] : memref<5x128xi32, #tpu.memory_space<vmem>> -> memref<1x128xi32, #tpu.memory_space<vmem>>
      %dma_wait3A_141 = tpu.memref_squeeze %dma_wait3A_140 : memref<1x128xi32, #tpu.memory_space<vmem>> -> memref<128xi32, #tpu.memory_space<vmem>>
      %dma_wait3A_142 = tpu.memref_slice %arg2[%add3A_4] : memref<20480xi32, #tpu.memory_space<hbm>> -> memref<128xi32, #tpu.memory_space<hbm>>
      %dma_wait3A_143 = arith.constant 0 : i32
      %dma_wait3A_144 = tpu.memref_slice %arg5[%run_scoped3A, %dma_wait3A_143] : memref<5x128xi32, #tpu.memory_space<vmem>> -> memref<1x128xi32, #tpu.memory_space<vmem>>
      %dma_wait3A_145 = tpu.memref_squeeze %dma_wait3A_144 : memref<1x128xi32, #tpu.memory_space<vmem>> -> memref<128xi32, #tpu.memory_space<vmem>>
      %dma_wait3A_146 = tpu.memref_slice %arg2[%add3A_4] : memref<20480xi32, #tpu.memory_space<hbm>> -> memref<128xi32, #tpu.memory_space<hbm>>
      tpu.wait_dma2 semaphore(%run_scoped3A_130 : memref<!tpu.dma_semaphore, #tpu.memory_space<semaphore_mem>>) src(%dma_wait3A_146 : memref<128xi32, #tpu.memory_space<hbm>>) dst(%dma_wait3A_145 : memref<128xi32, #tpu.memory_space<vmem>>)
      tpu.yield
    }) : () -> ()
    %mul3A_5 = arith.constant 640 : i32
    %mul3A_6 = arith.muli %add3A, %mul3A_5 : i32
    %add3A_7 = arith.constant 128 : i32
    %add3A_8 = arith.addi %mul3A_6, %add3A_7 : i32
    %run_scoped3A_9 = arith.constant 1 : i32
    "tpu.region"() ({
      %run_scoped3A_130 = tpu.sem_alloc : memref<!tpu.dma_semaphore, #tpu.memory_space<semaphore_mem>>
      %dma_start3A_131 = arith.constant 0 : i32
      %dma_start3A_132 = tpu.memref_slice %arg5[%run_scoped3A_9, %dma_start3A_131] : memref<5x128xi32, #tpu.memory_space<vmem>> -> memref<1x128xi32, #tpu.memory_space<vmem>>
      %dma_start3A_133 = tpu.memref_squeeze %dma_start3A_132 : memref<1x128xi32, #tpu.memory_space<vmem>> -> memref<128xi32, #tpu.memory_space<vmem>>
      %dma_start3A_134 = tpu.memref_slice %arg2[%add3A_8] : memref<20480xi32, #tpu.memory_space<hbm>> -> memref<128xi32, #tpu.memory_space<hbm>>
      %dma_start3A_135 = arith.constant 0 : i32
      %dma_start3A_136 = tpu.memref_slice %arg5[%run_scoped3A_9, %dma_start3A_135] : memref<5x128xi32, #tpu.memory_space<vmem>> -> memref<1x128xi32, #tpu.memory_space<vmem>>
      %dma_start3A_137 = tpu.memref_squeeze %dma_start3A_136 : memref<1x128xi32, #tpu.memory_space<vmem>> -> memref<128xi32, #tpu.memory_space<vmem>>
      %dma_start3A_138 = tpu.memref_slice %arg2[%add3A_8] : memref<20480xi32, #tpu.memory_space<hbm>> -> memref<128xi32, #tpu.memory_space<hbm>>
      tpu.enqueue_dma source(%dma_start3A_138 : memref<128xi32, #tpu.memory_space<hbm>>) target(%dma_start3A_137 : memref<128xi32, #tpu.memory_space<vmem>>) target_semaphore(%run_scoped3A_130 : memref<!tpu.dma_semaphore, #tpu.memory_space<semaphore_mem>>)
      %dma_wait3A_139 = arith.constant 0 : i32
      %dma_wait3A_140 = tpu.memref_slice %arg5[%run_scoped3A_9, %dma_wait3A_139] : memref<5x128xi32, #tpu.memory_space<vmem>> -> memref<1x128xi32, #tpu.memory_space<vmem>>
      %dma_wait3A_141 = tpu.memref_squeeze %dma_wait3A_140 : memref<1x128xi32, #tpu.memory_space<vmem>> -> memref<128xi32, #tpu.memory_space<vmem>>
      %dma_wait3A_142 = tpu.memref_slice %arg2[%add3A_8] : memref<20480xi32, #tpu.memory_space<hbm>> -> memref<128xi32, #tpu.memory_space<hbm>>
      %dma_wait3A_143 = arith.constant 0 : i32
      %dma_wait3A_144 = tpu.memref_slice %arg5[%run_scoped3A_9, %dma_wait3A_143] : memref<5x128xi32, #tpu.memory_space<vmem>> -> memref<1x128xi32, #tpu.memory_space<vmem>>
      %dma_wait3A_145 = tpu.memref_squeeze %dma_wait3A_144 : memref<1x128xi32, #tpu.memory_space<vmem>> -> memref<128xi32, #tpu.memory_space<vmem>>
      %dma_wait3A_146 = tpu.memref_slice %arg2[%add3A_8] : memref<20480xi32, #tpu.memory_space<hbm>> -> memref<128xi32, #tpu.memory_space<hbm>>
      tpu.wait_dma2 semaphore(%run_scoped3A_130 : memref<!tpu.dma_semaphore, #tpu.memory_space<semaphore_mem>>) src(%dma_wait3A_146 : memref<128xi32, #tpu.memory_space<hbm>>) dst(%dma_wait3A_145 : memref<128xi32, #tpu.memory_space<vmem>>)
      tpu.yield
    }) : () -> ()
    %mul3A_10 = arith.constant 640 : i32
    %mul3A_11 = arith.muli %add3A, %mul3A_10 : i32
    %add3A_12 = arith.constant 256 : i32
    %add3A_13 = arith.addi %mul3A_11, %add3A_12 : i32
    %run_scoped3A_14 = arith.constant 2 : i32
    "tpu.region"() ({
      %run_scoped3A_130 = tpu.sem_alloc : memref<!tpu.dma_semaphore, #tpu.memory_space<semaphore_mem>>
      %dma_start3A_131 = arith.constant 0 : i32
      %dma_start3A_132 = tpu.memref_slice %arg5[%run_scoped3A_14, %dma_start3A_131] : memref<5x128xi32, #tpu.memory_space<vmem>> -> memref<1x128xi32, #tpu.memory_space<vmem>>
      %dma_start3A_133 = tpu.memref_squeeze %dma_start3A_132 : memref<1x128xi32, #tpu.memory_space<vmem>> -> memref<128xi32, #tpu.memory_space<vmem>>
      %dma_start3A_134 = tpu.memref_slice %arg2[%add3A_13] : memref<20480xi32, #tpu.memory_space<hbm>> -> memref<128xi32, #tpu.memory_space<hbm>>
      %dma_start3A_135 = arith.constant 0 : i32
      %dma_start3A_136 = tpu.memref_slice %arg5[%run_scoped3A_14, %dma_start3A_135] : memref<5x128xi32, #tpu.memory_space<vmem>> -> memref<1x128xi32, #tpu.memory_space<vmem>>
      %dma_start3A_137 = tpu.memref_squeeze %dma_start3A_136 : memref<1x128xi32, #tpu.memory_space<vmem>> -> memref<128xi32, #tpu.memory_space<vmem>>
      %dma_start3A_138 = tpu.memref_slice %arg2[%add3A_13] : memref<20480xi32, #tpu.memory_space<hbm>> -> memref<128xi32, #tpu.memory_space<hbm>>
      tpu.enqueue_dma source(%dma_start3A_138 : memref<128xi32, #tpu.memory_space<hbm>>) target(%dma_start3A_137 : memref<128xi32, #tpu.memory_space<vmem>>) target_semaphore(%run_scoped3A_130 : memref<!tpu.dma_semaphore, #tpu.memory_space<semaphore_mem>>)
      %dma_wait3A_139 = arith.constant 0 : i32
      %dma_wait3A_140 = tpu.memref_slice %arg5[%run_scoped3A_14, %dma_wait3A_139] : memref<5x128xi32, #tpu.memory_space<vmem>> -> memref<1x128xi32, #tpu.memory_space<vmem>>
      %dma_wait3A_141 = tpu.memref_squeeze %dma_wait3A_140 : memref<1x128xi32, #tpu.memory_space<vmem>> -> memref<128xi32, #tpu.memory_space<vmem>>
      %dma_wait3A_142 = tpu.memref_slice %arg2[%add3A_13] : memref<20480xi32, #tpu.memory_space<hbm>> -> memref<128xi32, #tpu.memory_space<hbm>>
      %dma_wait3A_143 = arith.constant 0 : i32
      %dma_wait3A_144 = tpu.memref_slice %arg5[%run_scoped3A_14, %dma_wait3A_143] : memref<5x128xi32, #tpu.memory_space<vmem>> -> memref<1x128xi32, #tpu.memory_space<vmem>>
      %dma_wait3A_145 = tpu.memref_squeeze %dma_wait3A_144 : memref<1x128xi32, #tpu.memory_space<vmem>> -> memref<128xi32, #tpu.memory_space<vmem>>
      %dma_wait3A_146 = tpu.memref_slice %arg2[%add3A_13] : memref<20480xi32, #tpu.memory_space<hbm>> -> memref<128xi32, #tpu.memory_space<hbm>>
      tpu.wait_dma2 semaphore(%run_scoped3A_130 : memref<!tpu.dma_semaphore, #tpu.memory_space<semaphore_mem>>) src(%dma_wait3A_146 : memref<128xi32, #tpu.memory_space<hbm>>) dst(%dma_wait3A_145 : memref<128xi32, #tpu.memory_space<vmem>>)
      tpu.yield
    }) : () -> ()
    %mul3A_15 = arith.constant 640 : i32
    %mul3A_16 = arith.muli %add3A, %mul3A_15 : i32
    %add3A_17 = arith.constant 384 : i32
    %add3A_18 = arith.addi %mul3A_16, %add3A_17 : i32
    %run_scoped3A_19 = arith.constant 3 : i32
    "tpu.region"() ({
      %run_scoped3A_130 = tpu.sem_alloc : memref<!tpu.dma_semaphore, #tpu.memory_space<semaphore_mem>>
      %dma_start3A_131 = arith.constant 0 : i32
      %dma_start3A_132 = tpu.memref_slice %arg5[%run_scoped3A_19, %dma_start3A_131] : memref<5x128xi32, #tpu.memory_space<vmem>> -> memref<1x128xi32, #tpu.memory_space<vmem>>
      %dma_start3A_133 = tpu.memref_squeeze %dma_start3A_132 : memref<1x128xi32, #tpu.memory_space<vmem>> -> memref<128xi32, #tpu.memory_space<vmem>>
      %dma_start3A_134 = tpu.memref_slice %arg2[%add3A_18] : memref<20480xi32, #tpu.memory_space<hbm>> -> memref<128xi32, #tpu.memory_space<hbm>>
      %dma_start3A_135 = arith.constant 0 : i32
      %dma_start3A_136 = tpu.memref_slice %arg5[%run_scoped3A_19, %dma_start3A_135] : memref<5x128xi32, #tpu.memory_space<vmem>> -> memref<1x128xi32, #tpu.memory_space<vmem>>
      %dma_start3A_137 = tpu.memref_squeeze %dma_start3A_136 : memref<1x128xi32, #tpu.memory_space<vmem>> -> memref<128xi32, #tpu.memory_space<vmem>>
      %dma_start3A_138 = tpu.memref_slice %arg2[%add3A_18] : memref<20480xi32, #tpu.memory_space<hbm>> -> memref<128xi32, #tpu.memory_space<hbm>>
      tpu.enqueue_dma source(%dma_start3A_138 : memref<128xi32, #tpu.memory_space<hbm>>) target(%dma_start3A_137 : memref<128xi32, #tpu.memory_space<vmem>>) target_semaphore(%run_scoped3A_130 : memref<!tpu.dma_semaphore, #tpu.memory_space<semaphore_mem>>)
      %dma_wait3A_139 = arith.constant 0 : i32
      %dma_wait3A_140 = tpu.memref_slice %arg5[%run_scoped3A_19, %dma_wait3A_139] : memref<5x128xi32, #tpu.memory_space<vmem>> -> memref<1x128xi32, #tpu.memory_space<vmem>>
      %dma_wait3A_141 = tpu.memref_squeeze %dma_wait3A_140 : memref<1x128xi32, #tpu.memory_space<vmem>> -> memref<128xi32, #tpu.memory_space<vmem>>
      %dma_wait3A_142 = tpu.memref_slice %arg2[%add3A_18] : memref<20480xi32, #tpu.memory_space<hbm>> -> memref<128xi32, #tpu.memory_space<hbm>>
      %dma_wait3A_143 = arith.constant 0 : i32
      %dma_wait3A_144 = tpu.memref_slice %arg5[%run_scoped3A_19, %dma_wait3A_143] : memref<5x128xi32, #tpu.memory_space<vmem>> -> memref<1x128xi32, #tpu.memory_space<vmem>>
      %dma_wait3A_145 = tpu.memref_squeeze %dma_wait3A_144 : memref<1x128xi32, #tpu.memory_space<vmem>> -> memref<128xi32, #tpu.memory_space<vmem>>
      %dma_wait3A_146 = tpu.memref_slice %arg2[%add3A_18] : memref<20480xi32, #tpu.memory_space<hbm>> -> memref<128xi32, #tpu.memory_space<hbm>>
      tpu.wait_dma2 semaphore(%run_scoped3A_130 : memref<!tpu.dma_semaphore, #tpu.memory_space<semaphore_mem>>) src(%dma_wait3A_146 : memref<128xi32, #tpu.memory_space<hbm>>) dst(%dma_wait3A_145 : memref<128xi32, #tpu.memory_space<vmem>>)
      tpu.yield
    }) : () -> ()
    %mul3A_20 = arith.constant 640 : i32
    %mul3A_21 = arith.muli %add3A, %mul3A_20 : i32
    %add3A_22 = arith.constant 512 : i32
    %add3A_23 = arith.addi %mul3A_21, %add3A_22 : i32
    %run_scoped3A_24 = arith.constant 4 : i32
    "tpu.region"() ({
      %run_scoped3A_130 = tpu.sem_alloc : memref<!tpu.dma_semaphore, #tpu.memory_space<semaphore_mem>>
      %dma_start3A_131 = arith.constant 0 : i32
      %dma_start3A_132 = tpu.memref_slice %arg5[%run_scoped3A_24, %dma_start3A_131] : memref<5x128xi32, #tpu.memory_space<vmem>> -> memref<1x128xi32, #tpu.memory_space<vmem>>
      %dma_start3A_133 = tpu.memref_squeeze %dma_start3A_132 : memref<1x128xi32, #tpu.memory_space<vmem>> -> memref<128xi32, #tpu.memory_space<vmem>>
      %dma_start3A_134 = tpu.memref_slice %arg2[%add3A_23] : memref<20480xi32, #tpu.memory_space<hbm>> -> memref<128xi32, #tpu.memory_space<hbm>>
      %dma_start3A_135 = arith.constant 0 : i32
      %dma_start3A_136 = tpu.memref_slice %arg5[%run_scoped3A_24, %dma_start3A_135] : memref<5x128xi32, #tpu.memory_space<vmem>> -> memref<1x128xi32, #tpu.memory_space<vmem>>
      %dma_start3A_137 = tpu.memref_squeeze %dma_start3A_136 : memref<1x128xi32, #tpu.memory_space<vmem>> -> memref<128xi32, #tpu.memory_space<vmem>>
      %dma_start3A_138 = tpu.memref_slice %arg2[%add3A_23] : memref<20480xi32, #tpu.memory_space<hbm>> -> memref<128xi32, #tpu.memory_space<hbm>>
      tpu.enqueue_dma source(%dma_start3A_138 : memref<128xi32, #tpu.memory_space<hbm>>) target(%dma_start3A_137 : memref<128xi32, #tpu.memory_space<vmem>>) target_semaphore(%run_scoped3A_130 : memref<!tpu.dma_semaphore, #tpu.memory_space<semaphore_mem>>)
      %dma_wait3A_139 = arith.constant 0 : i32
      %dma_wait3A_140 = tpu.memref_slice %arg5[%run_scoped3A_24, %dma_wait3A_139] : memref<5x128xi32, #tpu.memory_space<vmem>> -> memref<1x128xi32, #tpu.memory_space<vmem>>
      %dma_wait3A_141 = tpu.memref_squeeze %dma_wait3A_140 : memref<1x128xi32, #tpu.memory_space<vmem>> -> memref<128xi32, #tpu.memory_space<vmem>>
      %dma_wait3A_142 = tpu.memref_slice %arg2[%add3A_23] : memref<20480xi32, #tpu.memory_space<hbm>> -> memref<128xi32, #tpu.memory_space<hbm>>
      %dma_wait3A_143 = arith.constant 0 : i32
      %dma_wait3A_144 = tpu.memref_slice %arg5[%run_scoped3A_24, %dma_wait3A_143] : memref<5x128xi32, #tpu.memory_space<vmem>> -> memref<1x128xi32, #tpu.memory_space<vmem>>
      %dma_wait3A_145 = tpu.memref_squeeze %dma_wait3A_144 : memref<1x128xi32, #tpu.memory_space<vmem>> -> memref<128xi32, #tpu.memory_space<vmem>>
      %dma_wait3A_146 = tpu.memref_slice %arg2[%add3A_23] : memref<20480xi32, #tpu.memory_space<hbm>> -> memref<128xi32, #tpu.memory_space<hbm>>
      tpu.wait_dma2 semaphore(%run_scoped3A_130 : memref<!tpu.dma_semaphore, #tpu.memory_space<semaphore_mem>>) src(%dma_wait3A_146 : memref<128xi32, #tpu.memory_space<hbm>>) dst(%dma_wait3A_145 : memref<128xi32, #tpu.memory_space<vmem>>)
      tpu.yield
    }) : () -> ()
    %dma_start3A = arith.constant 0 : i32
    %dma_start3A_25 = arith.constant 0 : i32
    %dma_start3A_26 = arith.constant 0 : i32
    %dma_start3A_27 = tpu.memref_slice %arg6[%dma_start3A_25, %dma_start3A_26] : memref<640x64xf32, #tpu.memory_space<vmem>> -> memref<128x64xf32, #tpu.memory_space<vmem>>
    %dma_start3A_28 = arith.constant 0 : i32
    %dma_start3A_29 = tpu.memref_slice %arg5[%dma_start3A, %dma_start3A_28] : memref<5x128xi32, #tpu.memory_space<vmem>> -> memref<1x128xi32, #tpu.memory_space<vmem>>
    %dma_start3A_30 = tpu.memref_squeeze %dma_start3A_29 : memref<1x128xi32, #tpu.memory_space<vmem>> -> memref<128xi32, #tpu.memory_space<vmem>>
    %dma_start3A_31 = arith.constant 0 : i32
    %dma_start3A_32 = arith.constant 0 : i32
    %dma_start3A_33 = tpu.memref_slice %arg3[%dma_start3A_31, %dma_start3A_32] : memref<100000x64xf32, #tpu.memory_space<hbm>> -> memref<100000x64xf32, #tpu.memory_space<hbm>>
    tpu.enqueue_indirect_dma source(%dma_start3A_33 : memref<100000x64xf32, #tpu.memory_space<hbm>>) target(%dma_start3A_27 : memref<128x64xf32, #tpu.memory_space<vmem>>) offsets(%dma_start3A_30 : memref<128xi32, #tpu.memory_space<vmem>>) semaphore(%arg8 : memref<!tpu.dma_semaphore, #tpu.memory_space<semaphore_mem>>)
    %dma_start3A_34 = arith.constant 1 : i32
    %dma_start3A_35 = arith.constant 128 : i32
    %dma_start3A_36 = arith.constant 0 : i32
    %dma_start3A_37 = tpu.memref_slice %arg6[%dma_start3A_35, %dma_start3A_36] : memref<640x64xf32, #tpu.memory_space<vmem>> -> memref<128x64xf32, #tpu.memory_space<vmem>>
    %dma_start3A_38 = arith.constant 0 : i32
    %dma_start3A_39 = tpu.memref_slice %arg5[%dma_start3A_34, %dma_start3A_38] : memref<5x128xi32, #tpu.memory_space<vmem>> -> memref<1x128xi32, #tpu.memory_space<vmem>>
    %dma_start3A_40 = tpu.memref_squeeze %dma_start3A_39 : memref<1x128xi32, #tpu.memory_space<vmem>> -> memref<128xi32, #tpu.memory_space<vmem>>
    %dma_start3A_41 = arith.constant 0 : i32
    %dma_start3A_42 = arith.constant 0 : i32
    %dma_start3A_43 = tpu.memref_slice %arg3[%dma_start3A_41, %dma_start3A_42] : memref<100000x64xf32, #tpu.memory_space<hbm>> -> memref<100000x64xf32, #tpu.memory_space<hbm>>
    tpu.enqueue_indirect_dma source(%dma_start3A_43 : memref<100000x64xf32, #tpu.memory_space<hbm>>) target(%dma_start3A_37 : memref<128x64xf32, #tpu.memory_space<vmem>>) offsets(%dma_start3A_40 : memref<128xi32, #tpu.memory_space<vmem>>) semaphore(%arg8 : memref<!tpu.dma_semaphore, #tpu.memory_space<semaphore_mem>>)
    %dma_start3A_44 = arith.constant 2 : i32
    %dma_start3A_45 = arith.constant 256 : i32
    %dma_start3A_46 = arith.constant 0 : i32
    %dma_start3A_47 = tpu.memref_slice %arg6[%dma_start3A_45, %dma_start3A_46] : memref<640x64xf32, #tpu.memory_space<vmem>> -> memref<128x64xf32, #tpu.memory_space<vmem>>
    %dma_start3A_48 = arith.constant 0 : i32
    %dma_start3A_49 = tpu.memref_slice %arg5[%dma_start3A_44, %dma_start3A_48] : memref<5x128xi32, #tpu.memory_space<vmem>> -> memref<1x128xi32, #tpu.memory_space<vmem>>
    %dma_start3A_50 = tpu.memref_squeeze %dma_start3A_49 : memref<1x128xi32, #tpu.memory_space<vmem>> -> memref<128xi32, #tpu.memory_space<vmem>>
    %dma_start3A_51 = arith.constant 0 : i32
    %dma_start3A_52 = arith.constant 0 : i32
    %dma_start3A_53 = tpu.memref_slice %arg3[%dma_start3A_51, %dma_start3A_52] : memref<100000x64xf32, #tpu.memory_space<hbm>> -> memref<100000x64xf32, #tpu.memory_space<hbm>>
    tpu.enqueue_indirect_dma source(%dma_start3A_53 : memref<100000x64xf32, #tpu.memory_space<hbm>>) target(%dma_start3A_47 : memref<128x64xf32, #tpu.memory_space<vmem>>) offsets(%dma_start3A_50 : memref<128xi32, #tpu.memory_space<vmem>>) semaphore(%arg8 : memref<!tpu.dma_semaphore, #tpu.memory_space<semaphore_mem>>)
    %dma_start3A_54 = arith.constant 3 : i32
    %dma_start3A_55 = arith.constant 384 : i32
    %dma_start3A_56 = arith.constant 0 : i32
    %dma_start3A_57 = tpu.memref_slice %arg6[%dma_start3A_55, %dma_start3A_56] : memref<640x64xf32, #tpu.memory_space<vmem>> -> memref<128x64xf32, #tpu.memory_space<vmem>>
    %dma_start3A_58 = arith.constant 0 : i32
    %dma_start3A_59 = tpu.memref_slice %arg5[%dma_start3A_54, %dma_start3A_58] : memref<5x128xi32, #tpu.memory_space<vmem>> -> memref<1x128xi32, #tpu.memory_space<vmem>>
    %dma_start3A_60 = tpu.memref_squeeze %dma_start3A_59 : memref<1x128xi32, #tpu.memory_space<vmem>> -> memref<128xi32, #tpu.memory_space<vmem>>
    %dma_start3A_61 = arith.constant 0 : i32
    %dma_start3A_62 = arith.constant 0 : i32
    %dma_start3A_63 = tpu.memref_slice %arg3[%dma_start3A_61, %dma_start3A_62] : memref<100000x64xf32, #tpu.memory_space<hbm>> -> memref<100000x64xf32, #tpu.memory_space<hbm>>
    tpu.enqueue_indirect_dma source(%dma_start3A_63 : memref<100000x64xf32, #tpu.memory_space<hbm>>) target(%dma_start3A_57 : memref<128x64xf32, #tpu.memory_space<vmem>>) offsets(%dma_start3A_60 : memref<128xi32, #tpu.memory_space<vmem>>) semaphore(%arg8 : memref<!tpu.dma_semaphore, #tpu.memory_space<semaphore_mem>>)
    %dma_start3A_64 = arith.constant 4 : i32
    %dma_start3A_65 = arith.constant 512 : i32
    %dma_start3A_66 = arith.constant 0 : i32
    %dma_start3A_67 = tpu.memref_slice %arg6[%dma_start3A_65, %dma_start3A_66] : memref<640x64xf32, #tpu.memory_space<vmem>> -> memref<128x64xf32, #tpu.memory_space<vmem>>
    %dma_start3A_68 = arith.constant 0 : i32
    %dma_start3A_69 = tpu.memref_slice %arg5[%dma_start3A_64, %dma_start3A_68] : memref<5x128xi32, #tpu.memory_space<vmem>> -> memref<1x128xi32, #tpu.memory_space<vmem>>
    %dma_start3A_70 = tpu.memref_squeeze %dma_start3A_69 : memref<1x128xi32, #tpu.memory_space<vmem>> -> memref<128xi32, #tpu.memory_space<vmem>>
    %dma_start3A_71 = arith.constant 0 : i32
    %dma_start3A_72 = arith.constant 0 : i32
    %dma_start3A_73 = tpu.memref_slice %arg3[%dma_start3A_71, %dma_start3A_72] : memref<100000x64xf32, #tpu.memory_space<hbm>> -> memref<100000x64xf32, #tpu.memory_space<hbm>>
    tpu.enqueue_indirect_dma source(%dma_start3A_73 : memref<100000x64xf32, #tpu.memory_space<hbm>>) target(%dma_start3A_67 : memref<128x64xf32, #tpu.memory_space<vmem>>) offsets(%dma_start3A_70 : memref<128xi32, #tpu.memory_space<vmem>>) semaphore(%arg8 : memref<!tpu.dma_semaphore, #tpu.memory_space<semaphore_mem>>)
    %dma_wait3A = arith.constant 0 : i32
    %dma_wait3A_74 = arith.constant 0 : i32
    %dma_wait3A_75 = arith.constant 0 : i32
    %dma_wait3A_76 = tpu.memref_slice %arg6[%dma_wait3A_74, %dma_wait3A_75] : memref<640x64xf32, #tpu.memory_space<vmem>> -> memref<128x64xf32, #tpu.memory_space<vmem>>
    %dma_wait3A_77 = arith.constant 0 : i32
    %dma_wait3A_78 = tpu.memref_slice %arg5[%dma_wait3A, %dma_wait3A_77] : memref<5x128xi32, #tpu.memory_space<vmem>> -> memref<1x128xi32, #tpu.memory_space<vmem>>
    %dma_wait3A_79 = tpu.memref_squeeze %dma_wait3A_78 : memref<1x128xi32, #tpu.memory_space<vmem>> -> memref<128xi32, #tpu.memory_space<vmem>>
    %dma_wait3A_80 = arith.constant 0 : i32
    %dma_wait3A_81 = arith.constant 0 : i32
    %dma_wait3A_82 = tpu.memref_slice %arg3[%dma_wait3A_80, %dma_wait3A_81] : memref<100000x64xf32, #tpu.memory_space<hbm>> -> memref<100000x64xf32, #tpu.memory_space<hbm>>
    tpu.wait_indirect_dma semaphore(%arg8 : memref<!tpu.dma_semaphore, #tpu.memory_space<semaphore_mem>>) src(%dma_wait3A_82 : memref<100000x64xf32, #tpu.memory_space<hbm>>) dst(%dma_wait3A_76 : memref<128x64xf32, #tpu.memory_space<vmem>>)
    %dma_wait3A_83 = arith.constant 1 : i32
    %dma_wait3A_84 = arith.constant 128 : i32
    %dma_wait3A_85 = arith.constant 0 : i32
    %dma_wait3A_86 = tpu.memref_slice %arg6[%dma_wait3A_84, %dma_wait3A_85] : memref<640x64xf32, #tpu.memory_space<vmem>> -> memref<128x64xf32, #tpu.memory_space<vmem>>
    %dma_wait3A_87 = arith.constant 0 : i32
    %dma_wait3A_88 = tpu.memref_slice %arg5[%dma_wait3A_83, %dma_wait3A_87] : memref<5x128xi32, #tpu.memory_space<vmem>> -> memref<1x128xi32, #tpu.memory_space<vmem>>
    %dma_wait3A_89 = tpu.memref_squeeze %dma_wait3A_88 : memref<1x128xi32, #tpu.memory_space<vmem>> -> memref<128xi32, #tpu.memory_space<vmem>>
    %dma_wait3A_90 = arith.constant 0 : i32
    %dma_wait3A_91 = arith.constant 0 : i32
    %dma_wait3A_92 = tpu.memref_slice %arg3[%dma_wait3A_90, %dma_wait3A_91] : memref<100000x64xf32, #tpu.memory_space<hbm>> -> memref<100000x64xf32, #tpu.memory_space<hbm>>
    tpu.wait_indirect_dma semaphore(%arg8 : memref<!tpu.dma_semaphore, #tpu.memory_space<semaphore_mem>>) src(%dma_wait3A_92 : memref<100000x64xf32, #tpu.memory_space<hbm>>) dst(%dma_wait3A_86 : memref<128x64xf32, #tpu.memory_space<vmem>>)
    %dma_wait3A_93 = arith.constant 2 : i32
    %dma_wait3A_94 = arith.constant 256 : i32
    %dma_wait3A_95 = arith.constant 0 : i32
    %dma_wait3A_96 = tpu.memref_slice %arg6[%dma_wait3A_94, %dma_wait3A_95] : memref<640x64xf32, #tpu.memory_space<vmem>> -> memref<128x64xf32, #tpu.memory_space<vmem>>
    %dma_wait3A_97 = arith.constant 0 : i32
    %dma_wait3A_98 = tpu.memref_slice %arg5[%dma_wait3A_93, %dma_wait3A_97] : memref<5x128xi32, #tpu.memory_space<vmem>> -> memref<1x128xi32, #tpu.memory_space<vmem>>
    %dma_wait3A_99 = tpu.memref_squeeze %dma_wait3A_98 : memref<1x128xi32, #tpu.memory_space<vmem>> -> memref<128xi32, #tpu.memory_space<vmem>>
    %dma_wait3A_100 = arith.constant 0 : i32
    %dma_wait3A_101 = arith.constant 0 : i32
    %dma_wait3A_102 = tpu.memref_slice %arg3[%dma_wait3A_100, %dma_wait3A_101] : memref<100000x64xf32, #tpu.memory_space<hbm>> -> memref<100000x64xf32, #tpu.memory_space<hbm>>
    tpu.wait_indirect_dma semaphore(%arg8 : memref<!tpu.dma_semaphore, #tpu.memory_space<semaphore_mem>>) src(%dma_wait3A_102 : memref<100000x64xf32, #tpu.memory_space<hbm>>) dst(%dma_wait3A_96 : memref<128x64xf32, #tpu.memory_space<vmem>>)
    %dma_wait3A_103 = arith.constant 3 : i32
    %dma_wait3A_104 = arith.constant 384 : i32
    %dma_wait3A_105 = arith.constant 0 : i32
    %dma_wait3A_106 = tpu.memref_slice %arg6[%dma_wait3A_104, %dma_wait3A_105] : memref<640x64xf32, #tpu.memory_space<vmem>> -> memref<128x64xf32, #tpu.memory_space<vmem>>
    %dma_wait3A_107 = arith.constant 0 : i32
    %dma_wait3A_108 = tpu.memref_slice %arg5[%dma_wait3A_103, %dma_wait3A_107] : memref<5x128xi32, #tpu.memory_space<vmem>> -> memref<1x128xi32, #tpu.memory_space<vmem>>
    %dma_wait3A_109 = tpu.memref_squeeze %dma_wait3A_108 : memref<1x128xi32, #tpu.memory_space<vmem>> -> memref<128xi32, #tpu.memory_space<vmem>>
    %dma_wait3A_110 = arith.constant 0 : i32
    %dma_wait3A_111 = arith.constant 0 : i32
    %dma_wait3A_112 = tpu.memref_slice %arg3[%dma_wait3A_110, %dma_wait3A_111] : memref<100000x64xf32, #tpu.memory_space<hbm>> -> memref<100000x64xf32, #tpu.memory_space<hbm>>
    tpu.wait_indirect_dma semaphore(%arg8 : memref<!tpu.dma_semaphore, #tpu.memory_space<semaphore_mem>>) src(%dma_wait3A_112 : memref<100000x64xf32, #tpu.memory_space<hbm>>) dst(%dma_wait3A_106 : memref<128x64xf32, #tpu.memory_space<vmem>>)
    %dma_wait3A_113 = arith.constant 4 : i32
    %dma_wait3A_114 = arith.constant 512 : i32
    %dma_wait3A_115 = arith.constant 0 : i32
    %dma_wait3A_116 = tpu.memref_slice %arg6[%dma_wait3A_114, %dma_wait3A_115] : memref<640x64xf32, #tpu.memory_space<vmem>> -> memref<128x64xf32, #tpu.memory_space<vmem>>
    %dma_wait3A_117 = arith.constant 0 : i32
    %dma_wait3A_118 = tpu.memref_slice %arg5[%dma_wait3A_113, %dma_wait3A_117] : memref<5x128xi32, #tpu.memory_space<vmem>> -> memref<1x128xi32, #tpu.memory_space<vmem>>
    %dma_wait3A_119 = tpu.memref_squeeze %dma_wait3A_118 : memref<1x128xi32, #tpu.memory_space<vmem>> -> memref<128xi32, #tpu.memory_space<vmem>>
    %dma_wait3A_120 = arith.constant 0 : i32
    %dma_wait3A_121 = arith.constant 0 : i32
    %dma_wait3A_122 = tpu.memref_slice %arg3[%dma_wait3A_120, %dma_wait3A_121] : memref<100000x64xf32, #tpu.memory_space<hbm>> -> memref<100000x64xf32, #tpu.memory_space<hbm>>
    tpu.wait_indirect_dma semaphore(%arg8 : memref<!tpu.dma_semaphore, #tpu.memory_space<semaphore_mem>>) src(%dma_wait3A_122 : memref<100000x64xf32, #tpu.memory_space<hbm>>) dst(%dma_wait3A_116 : memref<128x64xf32, #tpu.memory_space<vmem>>)
    %scan3A = arith.constant 0 : i32
    %scan3A_123 = arith.constant 0 : i32
    %scan3A_124 = arith.constant 32 : i32
    %scan3A_125 = arith.addi %scan3A_123, %scan3A_124 : i32
    %scan3A_126 = arith.constant 1 : i32
    scf.for %scan3A_130 = %scan3A_123 to %scan3A_125 step %scan3A_126  : i32 {
      %mul3A_131 = arith.constant 20 : i32
      %mul3A_132 = arith.muli %scan3A_130, %mul3A_131 : i32
      %get3A = arith.index_cast %mul3A_132 : i32 to index
      %get3A_133 = arith.constant 0 : index
      %get3A_134 = tpu.vector_load %arg6[%get3A, %get3A_133] {strides = array<i32>} : memref<640x64xf32, #tpu.memory_space<vmem>>, vector<1x16xf32>,
      %get3A_135 = vector.shape_cast %get3A_134 : vector<1x16xf32> to vector<16xf32>
      %add3A_136 = arith.constant 1 : i32
      %add3A_137 = arith.addi %mul3A_132, %add3A_136 : i32
      %get3A_138 = arith.index_cast %add3A_137 : i32 to index
      %get3A_139 = arith.constant 0 : index
      %get3A_140 = tpu.vector_load %arg6[%get3A_138, %get3A_139] {strides = array<i32>} : memref<640x64xf32, #tpu.memory_space<vmem>>, vector<1x16xf32>,
      %get3A_141 = vector.shape_cast %get3A_140 : vector<1x16xf32> to vector<16xf32>
      %add3A_142 = arith.addf %get3A_135, %get3A_141 : vector<16xf32>
      %add3A_143 = arith.constant 2 : i32
      %add3A_144 = arith.addi %mul3A_132, %add3A_143 : i32
      %get3A_145 = arith.index_cast %add3A_144 : i32 to index
      %get3A_146 = arith.constant 0 : index
      %get3A_147 = tpu.vector_load %arg6[%get3A_145, %get3A_146] {strides = array<i32>} : memref<640x64xf32, #tpu.memory_space<vmem>>, vector<1x16xf32>,
      %get3A_148 = vector.shape_cast %get3A_147 : vector<1x16xf32> to vector<16xf32>
      %add3A_149 = arith.addf %add3A_142, %get3A_148 : vector<16xf32>
      %add3A_150 = arith.constant 3 : i32
      %add3A_151 = arith.addi %mul3A_132, %add3A_150 : i32
      %get3A_152 = arith.index_cast %add3A_151 : i32 to index
      %get3A_153 = arith.constant 0 : index
      %get3A_154 = tpu.vector_load %arg6[%get3A_152, %get3A_153] {strides = array<i32>} : memref<640x64xf32, #tpu.memory_space<vmem>>, vector<1x16xf32>,
      %get3A_155 = vector.shape_cast %get3A_154 : vector<1x16xf32> to vector<16xf32>
      %add3A_156 = arith.addf %add3A_149, %get3A_155 : vector<16xf32>
      %add3A_157 = arith.constant 4 : i32
      %add3A_158 = arith.addi %mul3A_132, %add3A_157 : i32
      %get3A_159 = arith.index_cast %add3A_158 : i32 to index
      %get3A_160 = arith.constant 0 : index
      %get3A_161 = tpu.vector_load %arg6[%get3A_159, %get3A_160] {strides = array<i32>} : memref<640x64xf32, #tpu.memory_space<vmem>>, vector<1x16xf32>,
      %get3A_162 = vector.shape_cast %get3A_161 : vector<1x16xf32> to vector<16xf32>
      %add3A_163 = arith.addf %add3A_156, %get3A_162 : vector<16xf32>
      %add3A_164 = arith.constant 5 : i32
      %add3A_165 = arith.addi %mul3A_132, %add3A_164 : i32
      %get3A_166 = arith.index_cast %add3A_165 : i32 to index
      %get3A_167 = arith.constant 0 : index
      %get3A_168 = tpu.vector_load %arg6[%get3A_166, %get3A_167] {strides = array<i32>} : memref<640x64xf32, #tpu.memory_space<vmem>>, vector<1x16xf32>,
      %get3A_169 = vector.shape_cast %get3A_168 : vector<1x16xf32> to vector<16xf32>
      %add3A_170 = arith.addf %add3A_163, %get3A_169 : vector<16xf32>
      %add3A_171 = arith.constant 6 : i32
      %add3A_172 = arith.addi %mul3A_132, %add3A_171 : i32
      %get3A_173 = arith.index_cast %add3A_172 : i32 to index
      %get3A_174 = arith.constant 0 : index
      %get3A_175 = tpu.vector_load %arg6[%get3A_173, %get3A_174] {strides = array<i32>} : memref<640x64xf32, #tpu.memory_space<vmem>>, vector<1x16xf32>,
      %get3A_176 = vector.shape_cast %get3A_175 : vector<1x16xf32> to vector<16xf32>
      %add3A_177 = arith.addf %add3A_170, %get3A_176 : vector<16xf32>
      %add3A_178 = arith.constant 7 : i32
      %add3A_179 = arith.addi %mul3A_132, %add3A_178 : i32
      %get3A_180 = arith.index_cast %add3A_179 : i32 to index
      %get3A_181 = arith.constant 0 : index
      %get3A_182 = tpu.vector_load %arg6[%get3A_180, %get3A_181] {strides = array<i32>} : memref<640x64xf32, #tpu.memory_space<vmem>>, vector<1x16xf32>,
      %get3A_183 = vector.shape_cast %get3A_182 : vector<1x16xf32> to vector<16xf32>
      %add3A_184 = arith.addf %add3A_177, %get3A_183 : vector<16xf32>
      %add3A_185 = arith.constant 8 : i32
      %add3A_186 = arith.addi %mul3A_132, %add3A_185 : i32
      %get3A_187 = arith.index_cast %add3A_186 : i32 to index
      %get3A_188 = arith.constant 0 : index
      %get3A_189 = tpu.vector_load %arg6[%get3A_187, %get3A_188] {strides = array<i32>} : memref<640x64xf32, #tpu.memory_space<vmem>>, vector<1x16xf32>,
      %get3A_190 = vector.shape_cast %get3A_189 : vector<1x16xf32> to vector<16xf32>
      %add3A_191 = arith.addf %add3A_184, %get3A_190 : vector<16xf32>
      %add3A_192 = arith.constant 9 : i32
      %add3A_193 = arith.addi %mul3A_132, %add3A_192 : i32
      %get3A_194 = arith.index_cast %add3A_193 : i32 to index
      %get3A_195 = arith.constant 0 : index
      %get3A_196 = tpu.vector_load %arg6[%get3A_194, %get3A_195] {strides = array<i32>} : memref<640x64xf32, #tpu.memory_space<vmem>>, vector<1x16xf32>,
      %get3A_197 = vector.shape_cast %get3A_196 : vector<1x16xf32> to vector<16xf32>
      %add3A_198 = arith.addf %add3A_191, %get3A_197 : vector<16xf32>
      %add3A_199 = arith.constant 10 : i32
      %add3A_200 = arith.addi %mul3A_132, %add3A_199 : i32
      %get3A_201 = arith.index_cast %add3A_200 : i32 to index
      %get3A_202 = arith.constant 0 : index
      %get3A_203 = tpu.vector_load %arg6[%get3A_201, %get3A_202] {strides = array<i32>} : memref<640x64xf32, #tpu.memory_space<vmem>>, vector<1x16xf32>,
      %get3A_204 = vector.shape_cast %get3A_203 : vector<1x16xf32> to vector<16xf32>
      %add3A_205 = arith.addf %add3A_198, %get3A_204 : vector<16xf32>
      %add3A_206 = arith.constant 11 : i32
      %add3A_207 = arith.addi %mul3A_132, %add3A_206 : i32
      %get3A_208 = arith.index_cast %add3A_207 : i32 to index
      %get3A_209 = arith.constant 0 : index
      %get3A_210 = tpu.vector_load %arg6[%get3A_208, %get3A_209] {strides = array<i32>} : memref<640x64xf32, #tpu.memory_space<vmem>>, vector<1x16xf32>,
      %get3A_211 = vector.shape_cast %get3A_210 : vector<1x16xf32> to vector<16xf32>
      %add3A_212 = arith.addf %add3A_205, %get3A_211 : vector<16xf32>
      %add3A_213 = arith.constant 12 : i32
      %add3A_214 = arith.addi %mul3A_132, %add3A_213 : i32
      %get3A_215 = arith.index_cast %add3A_214 : i32 to index
      %get3A_216 = arith.constant 0 : index
      %get3A_217 = tpu.vector_load %arg6[%get3A_215, %get3A_216] {strides = array<i32>} : memref<640x64xf32, #tpu.memory_space<vmem>>, vector<1x16xf32>,
      %get3A_218 = vector.shape_cast %get3A_217 : vector<1x16xf32> to vector<16xf32>
      %add3A_219 = arith.addf %add3A_212, %get3A_218 : vector<16xf32>
      %add3A_220 = arith.constant 13 : i32
      %add3A_221 = arith.addi %mul3A_132, %add3A_220 : i32
      %get3A_222 = arith.index_cast %add3A_221 : i32 to index
      %get3A_223 = arith.constant 0 : index
      %get3A_224 = tpu.vector_load %arg6[%get3A_222, %get3A_223] {strides = array<i32>} : memref<640x64xf32, #tpu.memory_space<vmem>>, vector<1x16xf32>,
      %get3A_225 = vector.shape_cast %get3A_224 : vector<1x16xf32> to vector<16xf32>
      %add3A_226 = arith.addf %add3A_219, %get3A_225 : vector<16xf32>
      %add3A_227 = arith.constant 14 : i32
      %add3A_228 = arith.addi %mul3A_132, %add3A_227 : i32
      %get3A_229 = arith.index_cast %add3A_228 : i32 to index
      %get3A_230 = arith.constant 0 : index
      %get3A_231 = tpu.vector_load %arg6[%get3A_229, %get3A_230] {strides = array<i32>} : memref<640x64xf32, #tpu.memory_space<vmem>>, vector<1x16xf32>,
      %get3A_232 = vector.shape_cast %get3A_231 : vector<1x16xf32> to vector<16xf32>
      %add3A_233 = arith.addf %add3A_226, %get3A_232 : vector<16xf32>
      %add3A_234 = arith.constant 15 : i32
      %add3A_235 = arith.addi %mul3A_132, %add3A_234 : i32
      %get3A_236 = arith.index_cast %add3A_235 : i32 to index
      %get3A_237 = arith.constant 0 : index
      %get3A_238 = tpu.vector_load %arg6[%get3A_236, %get3A_237] {strides = array<i32>} : memref<640x64xf32, #tpu.memory_space<vmem>>, vector<1x16xf32>,
      %get3A_239 = vector.shape_cast %get3A_238 : vector<1x16xf32> to vector<16xf32>
      %add3A_240 = arith.addf %add3A_233, %get3A_239 : vector<16xf32>
      %add3A_241 = arith.constant 16 : i32
      %add3A_242 = arith.addi %mul3A_132, %add3A_241 : i32
      %get3A_243 = arith.index_cast %add3A_242 : i32 to index
      %get3A_244 = arith.constant 0 : index
      %get3A_245 = tpu.vector_load %arg6[%get3A_243, %get3A_244] {strides = array<i32>} : memref<640x64xf32, #tpu.memory_space<vmem>>, vector<1x16xf32>,
      %get3A_246 = vector.shape_cast %get3A_245 : vector<1x16xf32> to vector<16xf32>
      %add3A_247 = arith.addf %add3A_240, %get3A_246 : vector<16xf32>
      %add3A_248 = arith.constant 17 : i32
      %add3A_249 = arith.addi %mul3A_132, %add3A_248 : i32
      %get3A_250 = arith.index_cast %add3A_249 : i32 to index
      %get3A_251 = arith.constant 0 : index
      %get3A_252 = tpu.vector_load %arg6[%get3A_250, %get3A_251] {strides = array<i32>} : memref<640x64xf32, #tpu.memory_space<vmem>>, vector<1x16xf32>,
      %get3A_253 = vector.shape_cast %get3A_252 : vector<1x16xf32> to vector<16xf32>
      %add3A_254 = arith.addf %add3A_247, %get3A_253 : vector<16xf32>
      %add3A_255 = arith.constant 18 : i32
      %add3A_256 = arith.addi %mul3A_132, %add3A_255 : i32
      %get3A_257 = arith.index_cast %add3A_256 : i32 to index
      %get3A_258 = arith.constant 0 : index
      %get3A_259 = tpu.vector_load %arg6[%get3A_257, %get3A_258] {strides = array<i32>} : memref<640x64xf32, #tpu.memory_space<vmem>>, vector<1x16xf32>,
      %get3A_260 = vector.shape_cast %get3A_259 : vector<1x16xf32> to vector<16xf32>
      %add3A_261 = arith.addf %add3A_254, %get3A_260 : vector<16xf32>
      %add3A_262 = arith.constant 19 : i32
      %add3A_263 = arith.addi %mul3A_132, %add3A_262 : i32
      %get3A_264 = arith.index_cast %add3A_263 : i32 to index
      %get3A_265 = arith.constant 0 : index
      %get3A_266 = tpu.vector_load %arg6[%get3A_264, %get3A_265] {strides = array<i32>} : memref<640x64xf32, #tpu.memory_space<vmem>>, vector<1x16xf32>,
      %get3A_267 = vector.shape_cast %get3A_266 : vector<1x16xf32> to vector<16xf32>
      %add3A_268 = arith.addf %add3A_261, %get3A_267 : vector<16xf32>
      %swap3A = arith.index_cast %scan3A_130 : i32 to index
      %swap3A_269 = arith.constant 0 : index
      %swap3A_270 = tpu.vector_load %arg7[%swap3A, %swap3A_269] {strides = array<i32>} : memref<32x64xf32, #tpu.memory_space<vmem>>, vector<1x16xf32>,
      %swap3A_271 = vector.shape_cast %swap3A_270 : vector<1x16xf32> to vector<16xf32>
      %swap3A_272 = vector.shape_cast %add3A_268 : vector<16xf32> to vector<1x16xf32>
      tpu.vector_store %arg7[%swap3A, %swap3A_269], %swap3A_272 {strides = array<i32>} : memref<32x64xf32, #tpu.memory_space<vmem>>, vector<1x16xf32>,
      %get3A_273 = arith.index_cast %mul3A_132 : i32 to index
      %get3A_274 = arith.constant 16 : index
      %get3A_275 = tpu.vector_load %arg6[%get3A_273, %get3A_274] {strides = array<i32>} : memref<640x64xf32, #tpu.memory_space<vmem>>, vector<1x16xf32>,
      %get3A_276 = vector.shape_cast %get3A_275 : vector<1x16xf32> to vector<16xf32>
      %add3A_277 = arith.constant 1 : i32
      %add3A_278 = arith.addi %mul3A_132, %add3A_277 : i32
      %get3A_279 = arith.index_cast %add3A_278 : i32 to index
      %get3A_280 = arith.constant 16 : index
      %get3A_281 = tpu.vector_load %arg6[%get3A_279, %get3A_280] {strides = array<i32>} : memref<640x64xf32, #tpu.memory_space<vmem>>, vector<1x16xf32>,
      %get3A_282 = vector.shape_cast %get3A_281 : vector<1x16xf32> to vector<16xf32>
      %add3A_283 = arith.addf %get3A_276, %get3A_282 : vector<16xf32>
      %add3A_284 = arith.constant 2 : i32
      %add3A_285 = arith.addi %mul3A_132, %add3A_284 : i32
      %get3A_286 = arith.index_cast %add3A_285 : i32 to index
      %get3A_287 = arith.constant 16 : index
      %get3A_288 = tpu.vector_load %arg6[%get3A_286, %get3A_287] {strides = array<i32>} : memref<640x64xf32, #tpu.memory_space<vmem>>, vector<1x16xf32>,
      %get3A_289 = vector.shape_cast %get3A_288 : vector<1x16xf32> to vector<16xf32>
      %add3A_290 = arith.addf %add3A_283, %get3A_289 : vector<16xf32>
      %add3A_291 = arith.constant 3 : i32
      %add3A_292 = arith.addi %mul3A_132, %add3A_291 : i32
      %get3A_293 = arith.index_cast %add3A_292 : i32 to index
      %get3A_294 = arith.constant 16 : index
      %get3A_295 = tpu.vector_load %arg6[%get3A_293, %get3A_294] {strides = array<i32>} : memref<640x64xf32, #tpu.memory_space<vmem>>, vector<1x16xf32>,
      %get3A_296 = vector.shape_cast %get3A_295 : vector<1x16xf32> to vector<16xf32>
      %add3A_297 = arith.addf %add3A_290, %get3A_296 : vector<16xf32>
      %add3A_298 = arith.constant 4 : i32
      %add3A_299 = arith.addi %mul3A_132, %add3A_298 : i32
      %get3A_300 = arith.index_cast %add3A_299 : i32 to index
      %get3A_301 = arith.constant 16 : index
      %get3A_302 = tpu.vector_load %arg6[%get3A_300, %get3A_301] {strides = array<i32>} : memref<640x64xf32, #tpu.memory_space<vmem>>, vector<1x16xf32>,
      %get3A_303 = vector.shape_cast %get3A_302 : vector<1x16xf32> to vector<16xf32>
      %add3A_304 = arith.addf %add3A_297, %get3A_303 : vector<16xf32>
      %add3A_305 = arith.constant 5 : i32
      %add3A_306 = arith.addi %mul3A_132, %add3A_305 : i32
      %get3A_307 = arith.index_cast %add3A_306 : i32 to index
      %get3A_308 = arith.constant 16 : index
      %get3A_309 = tpu.vector_load %arg6[%get3A_307, %get3A_308] {strides = array<i32>} : memref<640x64xf32, #tpu.memory_space<vmem>>, vector<1x16xf32>,
      %get3A_310 = vector.shape_cast %get3A_309 : vector<1x16xf32> to vector<16xf32>
      %add3A_311 = arith.addf %add3A_304, %get3A_310 : vector<16xf32>
      %add3A_312 = arith.constant 6 : i32
      %add3A_313 = arith.addi %mul3A_132, %add3A_312 : i32
      %get3A_314 = arith.index_cast %add3A_313 : i32 to index
      %get3A_315 = arith.constant 16 : index
      %get3A_316 = tpu.vector_load %arg6[%get3A_314, %get3A_315] {strides = array<i32>} : memref<640x64xf32, #tpu.memory_space<vmem>>, vector<1x16xf32>,
      %get3A_317 = vector.shape_cast %get3A_316 : vector<1x16xf32> to vector<16xf32>
      %add3A_318 = arith.addf %add3A_311, %get3A_317 : vector<16xf32>
      %add3A_319 = arith.constant 7 : i32
      %add3A_320 = arith.addi %mul3A_132, %add3A_319 : i32
      %get3A_321 = arith.index_cast %add3A_320 : i32 to index
      %get3A_322 = arith.constant 16 : index
      %get3A_323 = tpu.vector_load %arg6[%get3A_321, %get3A_322] {strides = array<i32>} : memref<640x64xf32, #tpu.memory_space<vmem>>, vector<1x16xf32>,
      %get3A_324 = vector.shape_cast %get3A_323 : vector<1x16xf32> to vector<16xf32>
      %add3A_325 = arith.addf %add3A_318, %get3A_324 : vector<16xf32>
      %add3A_326 = arith.constant 8 : i32
      %add3A_327 = arith.addi %mul3A_132, %add3A_326 : i32
      %get3A_328 = arith.index_cast %add3A_327 : i32 to index
      %get3A_329 = arith.constant 16 : index
      %get3A_330 = tpu.vector_load %arg6[%get3A_328, %get3A_329] {strides = array<i32>} : memref<640x64xf32, #tpu.memory_space<vmem>>, vector<1x16xf32>,
      %get3A_331 = vector.shape_cast %get3A_330 : vector<1x16xf32> to vector<16xf32>
      %add3A_332 = arith.addf %add3A_325, %get3A_331 : vector<16xf32>
      %add3A_333 = arith.constant 9 : i32
      %add3A_334 = arith.addi %mul3A_132, %add3A_333 : i32
      %get3A_335 = arith.index_cast %add3A_334 : i32 to index
      %get3A_336 = arith.constant 16 : index
      %get3A_337 = tpu.vector_load %arg6[%get3A_335, %get3A_336] {strides = array<i32>} : memref<640x64xf32, #tpu.memory_space<vmem>>, vector<1x16xf32>,
      %get3A_338 = vector.shape_cast %get3A_337 : vector<1x16xf32> to vector<16xf32>
      %add3A_339 = arith.addf %add3A_332, %get3A_338 : vector<16xf32>
      %add3A_340 = arith.constant 10 : i32
      %add3A_341 = arith.addi %mul3A_132, %add3A_340 : i32
      %get3A_342 = arith.index_cast %add3A_341 : i32 to index
      %get3A_343 = arith.constant 16 : index
      %get3A_344 = tpu.vector_load %arg6[%get3A_342, %get3A_343] {strides = array<i32>} : memref<640x64xf32, #tpu.memory_space<vmem>>, vector<1x16xf32>,
      %get3A_345 = vector.shape_cast %get3A_344 : vector<1x16xf32> to vector<16xf32>
      %add3A_346 = arith.addf %add3A_339, %get3A_345 : vector<16xf32>
      %add3A_347 = arith.constant 11 : i32
      %add3A_348 = arith.addi %mul3A_132, %add3A_347 : i32
      %get3A_349 = arith.index_cast %add3A_348 : i32 to index
      %get3A_350 = arith.constant 16 : index
      %get3A_351 = tpu.vector_load %arg6[%get3A_349, %get3A_350] {strides = array<i32>} : memref<640x64xf32, #tpu.memory_space<vmem>>, vector<1x16xf32>,
      %get3A_352 = vector.shape_cast %get3A_351 : vector<1x16xf32> to vector<16xf32>
      %add3A_353 = arith.addf %add3A_346, %get3A_352 : vector<16xf32>
      %add3A_354 = arith.constant 12 : i32
      %add3A_355 = arith.addi %mul3A_132, %add3A_354 : i32
      %get3A_356 = arith.index_cast %add3A_355 : i32 to index
      %get3A_357 = arith.constant 16 : index
      %get3A_358 = tpu.vector_load %arg6[%get3A_356, %get3A_357] {strides = array<i32>} : memref<640x64xf32, #tpu.memory_space<vmem>>, vector<1x16xf32>,
      %get3A_359 = vector.shape_cast %get3A_358 : vector<1x16xf32> to vector<16xf32>
      %add3A_360 = arith.addf %add3A_353, %get3A_359 : vector<16xf32>
      %add3A_361 = arith.constant 13 : i32
      %add3A_362 = arith.addi %mul3A_132, %add3A_361 : i32
      %get3A_363 = arith.index_cast %add3A_362 : i32 to index
      %get3A_364 = arith.constant 16 : index
      %get3A_365 = tpu.vector_load %arg6[%get3A_363, %get3A_364] {strides = array<i32>} : memref<640x64xf32, #tpu.memory_space<vmem>>, vector<1x16xf32>,
      %get3A_366 = vector.shape_cast %get3A_365 : vector<1x16xf32> to vector<16xf32>
      %add3A_367 = arith.addf %add3A_360, %get3A_366 : vector<16xf32>
      %add3A_368 = arith.constant 14 : i32
      %add3A_369 = arith.addi %mul3A_132, %add3A_368 : i32
      %get3A_370 = arith.index_cast %add3A_369 : i32 to index
      %get3A_371 = arith.constant 16 : index
      %get3A_372 = tpu.vector_load %arg6[%get3A_370, %get3A_371] {strides = array<i32>} : memref<640x64xf32, #tpu.memory_space<vmem>>, vector<1x16xf32>,
      %get3A_373 = vector.shape_cast %get3A_372 : vector<1x16xf32> to vector<16xf32>
      %add3A_374 = arith.addf %add3A_367, %get3A_373 : vector<16xf32>
      %add3A_375 = arith.constant 15 : i32
      %add3A_376 = arith.addi %mul3A_132, %add3A_375 : i32
      %get3A_377 = arith.index_cast %add3A_376 : i32 to index
      %get3A_378 = arith.constant 16 : index
      %get3A_379 = tpu.vector_load %arg6[%get3A_377, %get3A_378] {strides = array<i32>} : memref<640x64xf32, #tpu.memory_space<vmem>>, vector<1x16xf32>,
      %get3A_380 = vector.shape_cast %get3A_379 : vector<1x16xf32> to vector<16xf32>
      %add3A_381 = arith.addf %add3A_374, %get3A_380 : vector<16xf32>
      %add3A_382 = arith.constant 16 : i32
      %add3A_383 = arith.addi %mul3A_132, %add3A_382 : i32
      %get3A_384 = arith.index_cast %add3A_383 : i32 to index
      %get3A_385 = arith.constant 16 : index
      %get3A_386 = tpu.vector_load %arg6[%get3A_384, %get3A_385] {strides = array<i32>} : memref<640x64xf32, #tpu.memory_space<vmem>>, vector<1x16xf32>,
      %get3A_387 = vector.shape_cast %get3A_386 : vector<1x16xf32> to vector<16xf32>
      %add3A_388 = arith.addf %add3A_381, %get3A_387 : vector<16xf32>
      %add3A_389 = arith.constant 17 : i32
      %add3A_390 = arith.addi %mul3A_132, %add3A_389 : i32
      %get3A_391 = arith.index_cast %add3A_390 : i32 to index
      %get3A_392 = arith.constant 16 : index
      %get3A_393 = tpu.vector_load %arg6[%get3A_391, %get3A_392] {strides = array<i32>} : memref<640x64xf32, #tpu.memory_space<vmem>>, vector<1x16xf32>,
      %get3A_394 = vector.shape_cast %get3A_393 : vector<1x16xf32> to vector<16xf32>
      %add3A_395 = arith.addf %add3A_388, %get3A_394 : vector<16xf32>
      %add3A_396 = arith.constant 18 : i32
      %add3A_397 = arith.addi %mul3A_132, %add3A_396 : i32
      %get3A_398 = arith.index_cast %add3A_397 : i32 to index
      %get3A_399 = arith.constant 16 : index
      %get3A_400 = tpu.vector_load %arg6[%get3A_398, %get3A_399] {strides = array<i32>} : memref<640x64xf32, #tpu.memory_space<vmem>>, vector<1x16xf32>,
      %get3A_401 = vector.shape_cast %get3A_400 : vector<1x16xf32> to vector<16xf32>
      %add3A_402 = arith.addf %add3A_395, %get3A_401 : vector<16xf32>
      %add3A_403 = arith.constant 19 : i32
      %add3A_404 = arith.addi %mul3A_132, %add3A_403 : i32
      %get3A_405 = arith.index_cast %add3A_404 : i32 to index
      %get3A_406 = arith.constant 16 : index
      %get3A_407 = tpu.vector_load %arg6[%get3A_405, %get3A_406] {strides = array<i32>} : memref<640x64xf32, #tpu.memory_space<vmem>>, vector<1x16xf32>,
      %get3A_408 = vector.shape_cast %get3A_407 : vector<1x16xf32> to vector<16xf32>
      %add3A_409 = arith.addf %add3A_402, %get3A_408 : vector<16xf32>
      %swap3A_410 = arith.index_cast %scan3A_130 : i32 to index
      %swap3A_411 = arith.constant 16 : index
      %swap3A_412 = tpu.vector_load %arg7[%swap3A_410, %swap3A_411] {strides = array<i32>} : memref<32x64xf32, #tpu.memory_space<vmem>>, vector<1x16xf32>,
      %swap3A_413 = vector.shape_cast %swap3A_412 : vector<1x16xf32> to vector<16xf32>
      %swap3A_414 = vector.shape_cast %add3A_409 : vector<16xf32> to vector<1x16xf32>
      tpu.vector_store %arg7[%swap3A_410, %swap3A_411], %swap3A_414 {strides = array<i32>} : memref<32x64xf32, #tpu.memory_space<vmem>>, vector<1x16xf32>,
      %get3A_415 = arith.index_cast %mul3A_132 : i32 to index
      %get3A_416 = arith.constant 32 : index
      %get3A_417 = tpu.vector_load %arg6[%get3A_415, %get3A_416] {strides = array<i32>} : memref<640x64xf32, #tpu.memory_space<vmem>>, vector<1x16xf32>,
      %get3A_418 = vector.shape_cast %get3A_417 : vector<1x16xf32> to vector<16xf32>
      %add3A_419 = arith.constant 1 : i32
      %add3A_420 = arith.addi %mul3A_132, %add3A_419 : i32
      %get3A_421 = arith.index_cast %add3A_420 : i32 to index
      %get3A_422 = arith.constant 32 : index
      %get3A_423 = tpu.vector_load %arg6[%get3A_421, %get3A_422] {strides = array<i32>} : memref<640x64xf32, #tpu.memory_space<vmem>>, vector<1x16xf32>,
      %get3A_424 = vector.shape_cast %get3A_423 : vector<1x16xf32> to vector<16xf32>
      %add3A_425 = arith.addf %get3A_418, %get3A_424 : vector<16xf32>
      %add3A_426 = arith.constant 2 : i32
      %add3A_427 = arith.addi %mul3A_132, %add3A_426 : i32
      %get3A_428 = arith.index_cast %add3A_427 : i32 to index
      %get3A_429 = arith.constant 32 : index
      %get3A_430 = tpu.vector_load %arg6[%get3A_428, %get3A_429] {strides = array<i32>} : memref<640x64xf32, #tpu.memory_space<vmem>>, vector<1x16xf32>,
      %get3A_431 = vector.shape_cast %get3A_430 : vector<1x16xf32> to vector<16xf32>
      %add3A_432 = arith.addf %add3A_425, %get3A_431 : vector<16xf32>
      %add3A_433 = arith.constant 3 : i32
      %add3A_434 = arith.addi %mul3A_132, %add3A_433 : i32
      %get3A_435 = arith.index_cast %add3A_434 : i32 to index
      %get3A_436 = arith.constant 32 : index
      %get3A_437 = tpu.vector_load %arg6[%get3A_435, %get3A_436] {strides = array<i32>} : memref<640x64xf32, #tpu.memory_space<vmem>>, vector<1x16xf32>,
      %get3A_438 = vector.shape_cast %get3A_437 : vector<1x16xf32> to vector<16xf32>
      %add3A_439 = arith.addf %add3A_432, %get3A_438 : vector<16xf32>
      %add3A_440 = arith.constant 4 : i32
      %add3A_441 = arith.addi %mul3A_132, %add3A_440 : i32
      %get3A_442 = arith.index_cast %add3A_441 : i32 to index
      %get3A_443 = arith.constant 32 : index
      %get3A_444 = tpu.vector_load %arg6[%get3A_442, %get3A_443] {strides = array<i32>} : memref<640x64xf32, #tpu.memory_space<vmem>>, vector<1x16xf32>,
      %get3A_445 = vector.shape_cast %get3A_444 : vector<1x16xf32> to vector<16xf32>
      %add3A_446 = arith.addf %add3A_439, %get3A_445 : vector<16xf32>
      %add3A_447 = arith.constant 5 : i32
      %add3A_448 = arith.addi %mul3A_132, %add3A_447 : i32
      %get3A_449 = arith.index_cast %add3A_448 : i32 to index
      %get3A_450 = arith.constant 32 : index
      %get3A_451 = tpu.vector_load %arg6[%get3A_449, %get3A_450] {strides = array<i32>} : memref<640x64xf32, #tpu.memory_space<vmem>>, vector<1x16xf32>,
      %get3A_452 = vector.shape_cast %get3A_451 : vector<1x16xf32> to vector<16xf32>
      %add3A_453 = arith.addf %add3A_446, %get3A_452 : vector<16xf32>
      %add3A_454 = arith.constant 6 : i32
      %add3A_455 = arith.addi %mul3A_132, %add3A_454 : i32
      %get3A_456 = arith.index_cast %add3A_455 : i32 to index
      %get3A_457 = arith.constant 32 : index
      %get3A_458 = tpu.vector_load %arg6[%get3A_456, %get3A_457] {strides = array<i32>} : memref<640x64xf32, #tpu.memory_space<vmem>>, vector<1x16xf32>,
      %get3A_459 = vector.shape_cast %get3A_458 : vector<1x16xf32> to vector<16xf32>
      %add3A_460 = arith.addf %add3A_453, %get3A_459 : vector<16xf32>
      %add3A_461 = arith.constant 7 : i32
      %add3A_462 = arith.addi %mul3A_132, %add3A_461 : i32
      %get3A_463 = arith.index_cast %add3A_462 : i32 to index
      %get3A_464 = arith.constant 32 : index
      %get3A_465 = tpu.vector_load %arg6[%get3A_463, %get3A_464] {strides = array<i32>} : memref<640x64xf32, #tpu.memory_space<vmem>>, vector<1x16xf32>,
      %get3A_466 = vector.shape_cast %get3A_465 : vector<1x16xf32> to vector<16xf32>
      %add3A_467 = arith.addf %add3A_460, %get3A_466 : vector<16xf32>
      %add3A_468 = arith.constant 8 : i32
      %add3A_469 = arith.addi %mul3A_132, %add3A_468 : i32
      %get3A_470 = arith.index_cast %add3A_469 : i32 to index
      %get3A_471 = arith.constant 32 : index
      %get3A_472 = tpu.vector_load %arg6[%get3A_470, %get3A_471] {strides = array<i32>} : memref<640x64xf32, #tpu.memory_space<vmem>>, vector<1x16xf32>,
      %get3A_473 = vector.shape_cast %get3A_472 : vector<1x16xf32> to vector<16xf32>
      %add3A_474 = arith.addf %add3A_467, %get3A_473 : vector<16xf32>
      %add3A_475 = arith.constant 9 : i32
      %add3A_476 = arith.addi %mul3A_132, %add3A_475 : i32
      %get3A_477 = arith.index_cast %add3A_476 : i32 to index
      %get3A_478 = arith.constant 32 : index
      %get3A_479 = tpu.vector_load %arg6[%get3A_477, %get3A_478] {strides = array<i32>} : memref<640x64xf32, #tpu.memory_space<vmem>>, vector<1x16xf32>,
      %get3A_480 = vector.shape_cast %get3A_479 : vector<1x16xf32> to vector<16xf32>
      %add3A_481 = arith.addf %add3A_474, %get3A_480 : vector<16xf32>
      %add3A_482 = arith.constant 10 : i32
      %add3A_483 = arith.addi %mul3A_132, %add3A_482 : i32
      %get3A_484 = arith.index_cast %add3A_483 : i32 to index
      %get3A_485 = arith.constant 32 : index
      %get3A_486 = tpu.vector_load %arg6[%get3A_484, %get3A_485] {strides = array<i32>} : memref<640x64xf32, #tpu.memory_space<vmem>>, vector<1x16xf32>,
      %get3A_487 = vector.shape_cast %get3A_486 : vector<1x16xf32> to vector<16xf32>
      %add3A_488 = arith.addf %add3A_481, %get3A_487 : vector<16xf32>
      %add3A_489 = arith.constant 11 : i32
      %add3A_490 = arith.addi %mul3A_132, %add3A_489 : i32
      %get3A_491 = arith.index_cast %add3A_490 : i32 to index
      %get3A_492 = arith.constant 32 : index
      %get3A_493 = tpu.vector_load %arg6[%get3A_491, %get3A_492] {strides = array<i32>} : memref<640x64xf32, #tpu.memory_space<vmem>>, vector<1x16xf32>,
      %get3A_494 = vector.shape_cast %get3A_493 : vector<1x16xf32> to vector<16xf32>
      %add3A_495 = arith.addf %add3A_488, %get3A_494 : vector<16xf32>
      %add3A_496 = arith.constant 12 : i32
      %add3A_497 = arith.addi %mul3A_132, %add3A_496 : i32
      %get3A_498 = arith.index_cast %add3A_497 : i32 to index
      %get3A_499 = arith.constant 32 : index
      %get3A_500 = tpu.vector_load %arg6[%get3A_498, %get3A_499] {strides = array<i32>} : memref<640x64xf32, #tpu.memory_space<vmem>>, vector<1x16xf32>,
      %get3A_501 = vector.shape_cast %get3A_500 : vector<1x16xf32> to vector<16xf32>
      %add3A_502 = arith.addf %add3A_495, %get3A_501 : vector<16xf32>
      %add3A_503 = arith.constant 13 : i32
      %add3A_504 = arith.addi %mul3A_132, %add3A_503 : i32
      %get3A_505 = arith.index_cast %add3A_504 : i32 to index
      %get3A_506 = arith.constant 32 : index
      %get3A_507 = tpu.vector_load %arg6[%get3A_505, %get3A_506] {strides = array<i32>} : memref<640x64xf32, #tpu.memory_space<vmem>>, vector<1x16xf32>,
      %get3A_508 = vector.shape_cast %get3A_507 : vector<1x16xf32> to vector<16xf32>
      %add3A_509 = arith.addf %add3A_502, %get3A_508 : vector<16xf32>
      %add3A_510 = arith.constant 14 : i32
      %add3A_511 = arith.addi %mul3A_132, %add3A_510 : i32
      %get3A_512 = arith.index_cast %add3A_511 : i32 to index
      %get3A_513 = arith.constant 32 : index
      %get3A_514 = tpu.vector_load %arg6[%get3A_512, %get3A_513] {strides = array<i32>} : memref<640x64xf32, #tpu.memory_space<vmem>>, vector<1x16xf32>,
      %get3A_515 = vector.shape_cast %get3A_514 : vector<1x16xf32> to vector<16xf32>
      %add3A_516 = arith.addf %add3A_509, %get3A_515 : vector<16xf32>
      %add3A_517 = arith.constant 15 : i32
      %add3A_518 = arith.addi %mul3A_132, %add3A_517 : i32
      %get3A_519 = arith.index_cast %add3A_518 : i32 to index
      %get3A_520 = arith.constant 32 : index
      %get3A_521 = tpu.vector_load %arg6[%get3A_519, %get3A_520] {strides = array<i32>} : memref<640x64xf32, #tpu.memory_space<vmem>>, vector<1x16xf32>,
      %get3A_522 = vector.shape_cast %get3A_521 : vector<1x16xf32> to vector<16xf32>
      %add3A_523 = arith.addf %add3A_516, %get3A_522 : vector<16xf32>
      %add3A_524 = arith.constant 16 : i32
      %add3A_525 = arith.addi %mul3A_132, %add3A_524 : i32
      %get3A_526 = arith.index_cast %add3A_525 : i32 to index
      %get3A_527 = arith.constant 32 : index
      %get3A_528 = tpu.vector_load %arg6[%get3A_526, %get3A_527] {strides = array<i32>} : memref<640x64xf32, #tpu.memory_space<vmem>>, vector<1x16xf32>,
      %get3A_529 = vector.shape_cast %get3A_528 : vector<1x16xf32> to vector<16xf32>
      %add3A_530 = arith.addf %add3A_523, %get3A_529 : vector<16xf32>
      %add3A_531 = arith.constant 17 : i32
      %add3A_532 = arith.addi %mul3A_132, %add3A_531 : i32
      %get3A_533 = arith.index_cast %add3A_532 : i32 to index
      %get3A_534 = arith.constant 32 : index
      %get3A_535 = tpu.vector_load %arg6[%get3A_533, %get3A_534] {strides = array<i32>} : memref<640x64xf32, #tpu.memory_space<vmem>>, vector<1x16xf32>,
      %get3A_536 = vector.shape_cast %get3A_535 : vector<1x16xf32> to vector<16xf32>
      %add3A_537 = arith.addf %add3A_530, %get3A_536 : vector<16xf32>
      %add3A_538 = arith.constant 18 : i32
      %add3A_539 = arith.addi %mul3A_132, %add3A_538 : i32
      %get3A_540 = arith.index_cast %add3A_539 : i32 to index
      %get3A_541 = arith.constant 32 : index
      %get3A_542 = tpu.vector_load %arg6[%get3A_540, %get3A_541] {strides = array<i32>} : memref<640x64xf32, #tpu.memory_space<vmem>>, vector<1x16xf32>,
      %get3A_543 = vector.shape_cast %get3A_542 : vector<1x16xf32> to vector<16xf32>
      %add3A_544 = arith.addf %add3A_537, %get3A_543 : vector<16xf32>
      %add3A_545 = arith.constant 19 : i32
      %add3A_546 = arith.addi %mul3A_132, %add3A_545 : i32
      %get3A_547 = arith.index_cast %add3A_546 : i32 to index
      %get3A_548 = arith.constant 32 : index
      %get3A_549 = tpu.vector_load %arg6[%get3A_547, %get3A_548] {strides = array<i32>} : memref<640x64xf32, #tpu.memory_space<vmem>>, vector<1x16xf32>,
      %get3A_550 = vector.shape_cast %get3A_549 : vector<1x16xf32> to vector<16xf32>
      %add3A_551 = arith.addf %add3A_544, %get3A_550 : vector<16xf32>
      %swap3A_552 = arith.index_cast %scan3A_130 : i32 to index
      %swap3A_553 = arith.constant 32 : index
      %swap3A_554 = tpu.vector_load %arg7[%swap3A_552, %swap3A_553] {strides = array<i32>} : memref<32x64xf32, #tpu.memory_space<vmem>>, vector<1x16xf32>,
      %swap3A_555 = vector.shape_cast %swap3A_554 : vector<1x16xf32> to vector<16xf32>
      %swap3A_556 = vector.shape_cast %add3A_551 : vector<16xf32> to vector<1x16xf32>
      tpu.vector_store %arg7[%swap3A_552, %swap3A_553], %swap3A_556 {strides = array<i32>} : memref<32x64xf32, #tpu.memory_space<vmem>>, vector<1x16xf32>,
      %get3A_557 = arith.index_cast %mul3A_132 : i32 to index
      %get3A_558 = arith.constant 48 : index
      %get3A_559 = tpu.vector_load %arg6[%get3A_557, %get3A_558] {strides = array<i32>} : memref<640x64xf32, #tpu.memory_space<vmem>>, vector<1x16xf32>,
      %get3A_560 = vector.shape_cast %get3A_559 : vector<1x16xf32> to vector<16xf32>
      %add3A_561 = arith.constant 1 : i32
      %add3A_562 = arith.addi %mul3A_132, %add3A_561 : i32
      %get3A_563 = arith.index_cast %add3A_562 : i32 to index
      %get3A_564 = arith.constant 48 : index
      %get3A_565 = tpu.vector_load %arg6[%get3A_563, %get3A_564] {strides = array<i32>} : memref<640x64xf32, #tpu.memory_space<vmem>>, vector<1x16xf32>,
      %get3A_566 = vector.shape_cast %get3A_565 : vector<1x16xf32> to vector<16xf32>
      %add3A_567 = arith.addf %get3A_560, %get3A_566 : vector<16xf32>
      %add3A_568 = arith.constant 2 : i32
      %add3A_569 = arith.addi %mul3A_132, %add3A_568 : i32
      %get3A_570 = arith.index_cast %add3A_569 : i32 to index
      %get3A_571 = arith.constant 48 : index
      %get3A_572 = tpu.vector_load %arg6[%get3A_570, %get3A_571] {strides = array<i32>} : memref<640x64xf32, #tpu.memory_space<vmem>>, vector<1x16xf32>,
      %get3A_573 = vector.shape_cast %get3A_572 : vector<1x16xf32> to vector<16xf32>
      %add3A_574 = arith.addf %add3A_567, %get3A_573 : vector<16xf32>
      %add3A_575 = arith.constant 3 : i32
      %add3A_576 = arith.addi %mul3A_132, %add3A_575 : i32
      %get3A_577 = arith.index_cast %add3A_576 : i32 to index
      %get3A_578 = arith.constant 48 : index
      %get3A_579 = tpu.vector_load %arg6[%get3A_577, %get3A_578] {strides = array<i32>} : memref<640x64xf32, #tpu.memory_space<vmem>>, vector<1x16xf32>,
      %get3A_580 = vector.shape_cast %get3A_579 : vector<1x16xf32> to vector<16xf32>
      %add3A_581 = arith.addf %add3A_574, %get3A_580 : vector<16xf32>
      %add3A_582 = arith.constant 4 : i32
      %add3A_583 = arith.addi %mul3A_132, %add3A_582 : i32
      %get3A_584 = arith.index_cast %add3A_583 : i32 to index
      %get3A_585 = arith.constant 48 : index
      %get3A_586 = tpu.vector_load %arg6[%get3A_584, %get3A_585] {strides = array<i32>} : memref<640x64xf32, #tpu.memory_space<vmem>>, vector<1x16xf32>,
      %get3A_587 = vector.shape_cast %get3A_586 : vector<1x16xf32> to vector<16xf32>
      %add3A_588 = arith.addf %add3A_581, %get3A_587 : vector<16xf32>
      %add3A_589 = arith.constant 5 : i32
      %add3A_590 = arith.addi %mul3A_132, %add3A_589 : i32
      %get3A_591 = arith.index_cast %add3A_590 : i32 to index
      %get3A_592 = arith.constant 48 : index
      %get3A_593 = tpu.vector_load %arg6[%get3A_591, %get3A_592] {strides = array<i32>} : memref<640x64xf32, #tpu.memory_space<vmem>>, vector<1x16xf32>,
      %get3A_594 = vector.shape_cast %get3A_593 : vector<1x16xf32> to vector<16xf32>
      %add3A_595 = arith.addf %add3A_588, %get3A_594 : vector<16xf32>
      %add3A_596 = arith.constant 6 : i32
      %add3A_597 = arith.addi %mul3A_132, %add3A_596 : i32
      %get3A_598 = arith.index_cast %add3A_597 : i32 to index
      %get3A_599 = arith.constant 48 : index
      %get3A_600 = tpu.vector_load %arg6[%get3A_598, %get3A_599] {strides = array<i32>} : memref<640x64xf32, #tpu.memory_space<vmem>>, vector<1x16xf32>,
      %get3A_601 = vector.shape_cast %get3A_600 : vector<1x16xf32> to vector<16xf32>
      %add3A_602 = arith.addf %add3A_595, %get3A_601 : vector<16xf32>
      %add3A_603 = arith.constant 7 : i32
      %add3A_604 = arith.addi %mul3A_132, %add3A_603 : i32
      %get3A_605 = arith.index_cast %add3A_604 : i32 to index
      %get3A_606 = arith.constant 48 : index
      %get3A_607 = tpu.vector_load %arg6[%get3A_605, %get3A_606] {strides = array<i32>} : memref<640x64xf32, #tpu.memory_space<vmem>>, vector<1x16xf32>,
      %get3A_608 = vector.shape_cast %get3A_607 : vector<1x16xf32> to vector<16xf32>
      %add3A_609 = arith.addf %add3A_602, %get3A_608 : vector<16xf32>
      %add3A_610 = arith.constant 8 : i32
      %add3A_611 = arith.addi %mul3A_132, %add3A_610 : i32
      %get3A_612 = arith.index_cast %add3A_611 : i32 to index
      %get3A_613 = arith.constant 48 : index
      %get3A_614 = tpu.vector_load %arg6[%get3A_612, %get3A_613] {strides = array<i32>} : memref<640x64xf32, #tpu.memory_space<vmem>>, vector<1x16xf32>,
      %get3A_615 = vector.shape_cast %get3A_614 : vector<1x16xf32> to vector<16xf32>
      %add3A_616 = arith.addf %add3A_609, %get3A_615 : vector<16xf32>
      %add3A_617 = arith.constant 9 : i32
      %add3A_618 = arith.addi %mul3A_132, %add3A_617 : i32
      %get3A_619 = arith.index_cast %add3A_618 : i32 to index
      %get3A_620 = arith.constant 48 : index
      %get3A_621 = tpu.vector_load %arg6[%get3A_619, %get3A_620] {strides = array<i32>} : memref<640x64xf32, #tpu.memory_space<vmem>>, vector<1x16xf32>,
      %get3A_622 = vector.shape_cast %get3A_621 : vector<1x16xf32> to vector<16xf32>
      %add3A_623 = arith.addf %add3A_616, %get3A_622 : vector<16xf32>
      %add3A_624 = arith.constant 10 : i32
      %add3A_625 = arith.addi %mul3A_132, %add3A_624 : i32
      %get3A_626 = arith.index_cast %add3A_625 : i32 to index
      %get3A_627 = arith.constant 48 : index
      %get3A_628 = tpu.vector_load %arg6[%get3A_626, %get3A_627] {strides = array<i32>} : memref<640x64xf32, #tpu.memory_space<vmem>>, vector<1x16xf32>,
      %get3A_629 = vector.shape_cast %get3A_628 : vector<1x16xf32> to vector<16xf32>
      %add3A_630 = arith.addf %add3A_623, %get3A_629 : vector<16xf32>
      %add3A_631 = arith.constant 11 : i32
      %add3A_632 = arith.addi %mul3A_132, %add3A_631 : i32
      %get3A_633 = arith.index_cast %add3A_632 : i32 to index
      %get3A_634 = arith.constant 48 : index
      %get3A_635 = tpu.vector_load %arg6[%get3A_633, %get3A_634] {strides = array<i32>} : memref<640x64xf32, #tpu.memory_space<vmem>>, vector<1x16xf32>,
      %get3A_636 = vector.shape_cast %get3A_635 : vector<1x16xf32> to vector<16xf32>
      %add3A_637 = arith.addf %add3A_630, %get3A_636 : vector<16xf32>
      %add3A_638 = arith.constant 12 : i32
      %add3A_639 = arith.addi %mul3A_132, %add3A_638 : i32
      %get3A_640 = arith.index_cast %add3A_639 : i32 to index
      %get3A_641 = arith.constant 48 : index
      %get3A_642 = tpu.vector_load %arg6[%get3A_640, %get3A_641] {strides = array<i32>} : memref<640x64xf32, #tpu.memory_space<vmem>>, vector<1x16xf32>,
      %get3A_643 = vector.shape_cast %get3A_642 : vector<1x16xf32> to vector<16xf32>
      %add3A_644 = arith.addf %add3A_637, %get3A_643 : vector<16xf32>
      %add3A_645 = arith.constant 13 : i32
      %add3A_646 = arith.addi %mul3A_132, %add3A_645 : i32
      %get3A_647 = arith.index_cast %add3A_646 : i32 to index
      %get3A_648 = arith.constant 48 : index
      %get3A_649 = tpu.vector_load %arg6[%get3A_647, %get3A_648] {strides = array<i32>} : memref<640x64xf32, #tpu.memory_space<vmem>>, vector<1x16xf32>,
      %get3A_650 = vector.shape_cast %get3A_649 : vector<1x16xf32> to vector<16xf32>
      %add3A_651 = arith.addf %add3A_644, %get3A_650 : vector<16xf32>
      %add3A_652 = arith.constant 14 : i32
      %add3A_653 = arith.addi %mul3A_132, %add3A_652 : i32
      %get3A_654 = arith.index_cast %add3A_653 : i32 to index
      %get3A_655 = arith.constant 48 : index
      %get3A_656 = tpu.vector_load %arg6[%get3A_654, %get3A_655] {strides = array<i32>} : memref<640x64xf32, #tpu.memory_space<vmem>>, vector<1x16xf32>,
      %get3A_657 = vector.shape_cast %get3A_656 : vector<1x16xf32> to vector<16xf32>
      %add3A_658 = arith.addf %add3A_651, %get3A_657 : vector<16xf32>
      %add3A_659 = arith.constant 15 : i32
      %add3A_660 = arith.addi %mul3A_132, %add3A_659 : i32
      %get3A_661 = arith.index_cast %add3A_660 : i32 to index
      %get3A_662 = arith.constant 48 : index
      %get3A_663 = tpu.vector_load %arg6[%get3A_661, %get3A_662] {strides = array<i32>} : memref<640x64xf32, #tpu.memory_space<vmem>>, vector<1x16xf32>,
      %get3A_664 = vector.shape_cast %get3A_663 : vector<1x16xf32> to vector<16xf32>
      %add3A_665 = arith.addf %add3A_658, %get3A_664 : vector<16xf32>
      %add3A_666 = arith.constant 16 : i32
      %add3A_667 = arith.addi %mul3A_132, %add3A_666 : i32
      %get3A_668 = arith.index_cast %add3A_667 : i32 to index
      %get3A_669 = arith.constant 48 : index
      %get3A_670 = tpu.vector_load %arg6[%get3A_668, %get3A_669] {strides = array<i32>} : memref<640x64xf32, #tpu.memory_space<vmem>>, vector<1x16xf32>,
      %get3A_671 = vector.shape_cast %get3A_670 : vector<1x16xf32> to vector<16xf32>
      %add3A_672 = arith.addf %add3A_665, %get3A_671 : vector<16xf32>
      %add3A_673 = arith.constant 17 : i32
      %add3A_674 = arith.addi %mul3A_132, %add3A_673 : i32
      %get3A_675 = arith.index_cast %add3A_674 : i32 to index
      %get3A_676 = arith.constant 48 : index
      %get3A_677 = tpu.vector_load %arg6[%get3A_675, %get3A_676] {strides = array<i32>} : memref<640x64xf32, #tpu.memory_space<vmem>>, vector<1x16xf32>,
      %get3A_678 = vector.shape_cast %get3A_677 : vector<1x16xf32> to vector<16xf32>
      %add3A_679 = arith.addf %add3A_672, %get3A_678 : vector<16xf32>
      %add3A_680 = arith.constant 18 : i32
      %add3A_681 = arith.addi %mul3A_132, %add3A_680 : i32
      %get3A_682 = arith.index_cast %add3A_681 : i32 to index
      %get3A_683 = arith.constant 48 : index
      %get3A_684 = tpu.vector_load %arg6[%get3A_682, %get3A_683] {strides = array<i32>} : memref<640x64xf32, #tpu.memory_space<vmem>>, vector<1x16xf32>,
      %get3A_685 = vector.shape_cast %get3A_684 : vector<1x16xf32> to vector<16xf32>
      %add3A_686 = arith.addf %add3A_679, %get3A_685 : vector<16xf32>
      %add3A_687 = arith.constant 19 : i32
      %add3A_688 = arith.addi %mul3A_132, %add3A_687 : i32
      %get3A_689 = arith.index_cast %add3A_688 : i32 to index
      %get3A_690 = arith.constant 48 : index
      %get3A_691 = tpu.vector_load %arg6[%get3A_689, %get3A_690] {strides = array<i32>} : memref<640x64xf32, #tpu.memory_space<vmem>>, vector<1x16xf32>,
      %get3A_692 = vector.shape_cast %get3A_691 : vector<1x16xf32> to vector<16xf32>
      %add3A_693 = arith.addf %add3A_686, %get3A_692 : vector<16xf32>
      %swap3A_694 = arith.index_cast %scan3A_130 : i32 to index
      %swap3A_695 = arith.constant 48 : index
      %swap3A_696 = tpu.vector_load %arg7[%swap3A_694, %swap3A_695] {strides = array<i32>} : memref<32x64xf32, #tpu.memory_space<vmem>>, vector<1x16xf32>,
      %swap3A_697 = vector.shape_cast %swap3A_696 : vector<1x16xf32> to vector<16xf32>
      %swap3A_698 = vector.shape_cast %add3A_693 : vector<16xf32> to vector<1x16xf32>
      tpu.vector_store %arg7[%swap3A_694, %swap3A_695], %swap3A_698 {strides = array<i32>} : memref<32x64xf32, #tpu.memory_space<vmem>>, vector<1x16xf32>,
    }
    %scan3A_127 = arith.constant 32 : i32
    %mul3A_128 = arith.constant 32 : i32
    %mul3A_129 = arith.muli %add3A, %mul3A_128 : i32
    "tpu.region"() ({
      %run_scoped3A_130 = tpu.sem_alloc : memref<!tpu.dma_semaphore, #tpu.memory_space<semaphore_mem>>
      %dma_start3A_131 = arith.constant 0 : i32
      %dma_start3A_132 = tpu.memref_slice %arg4[%mul3A_129, %dma_start3A_131] : memref<1024x64xf32, #tpu.memory_space<hbm>> -> memref<32x64xf32, #tpu.memory_space<hbm>>
      %dma_start3A_133 = arith.constant 0 : i32
      %dma_start3A_134 = tpu.memref_slice %arg4[%mul3A_129, %dma_start3A_133] : memref<1024x64xf32, #tpu.memory_space<hbm>> -> memref<32x64xf32, #tpu.memory_space<hbm>>
      tpu.enqueue_dma source(%arg7 : memref<32x64xf32, #tpu.memory_space<vmem>>) target(%dma_start3A_134 : memref<32x64xf32, #tpu.memory_space<hbm>>) target_semaphore(%run_scoped3A_130 : memref<!tpu.dma_semaphore, #tpu.memory_space<semaphore_mem>>)
      %dma_wait3A_135 = arith.constant 0 : i32
      %dma_wait3A_136 = tpu.memref_slice %arg4[%mul3A_129, %dma_wait3A_135] : memref<1024x64xf32, #tpu.memory_space<hbm>> -> memref<32x64xf32, #tpu.memory_space<hbm>>
      %dma_wait3A_137 = arith.constant 0 : i32
      %dma_wait3A_138 = tpu.memref_slice %arg4[%mul3A_129, %dma_wait3A_137] : memref<1024x64xf32, #tpu.memory_space<hbm>> -> memref<32x64xf32, #tpu.memory_space<hbm>>
      tpu.wait_dma2 semaphore(%run_scoped3A_130 : memref<!tpu.dma_semaphore, #tpu.memory_space<semaphore_mem>>) src(%arg7 : memref<32x64xf32, #tpu.memory_space<vmem>>) dst(%dma_wait3A_138 : memref<32x64xf32, #tpu.memory_space<hbm>>)
      tpu.yield
    }) : () -> ()
    return
  }
}

module attributes {stable_mosaic.version = 14 : i64} {
  func.func @_mm_body(%arg0: i32, %arg1: memref<1024x64xf32, #tpu.memory_space<vmem>>, %arg2: memref<64x2048xf32, #tpu.memory_space<vmem>>, %arg3: memref<2048xf32, #tpu.memory_space<vmem>>, %arg4: memref<2048x1024xf32, #tpu.memory_space<vmem>>) attributes {dimension_semantics = [#tpu.dimension_semantics<arbitrary>], iteration_bounds = array<i64: 49>, scalar_prefetch = 0 : i64, scratch_operands = 0 : i64, tpu.core_type = #tpu.core_type<tc>, window_params = [{pipeline_mode = #tpu.pipeline_mode<synchronous>, transform_indices = @transform_0, window_bounds = array<i64: 1024, 64>}, {transform_indices = @transform_1, window_bounds = array<i64: 64, 2048>}, {transform_indices = @transform_2, window_bounds = array<i64: 2048>}, {transform_indices = @transform_3, window_bounds = array<i64: 2048, 1024>}]} {
    %get3A = arith.constant 0 : index
    %get3A_0 = arith.constant 0 : index
    %get3A_1 = vector.load %arg2[%get3A, %get3A_0] : memref<64x2048xf32, #tpu.memory_space<vmem>>, vector<64x2048xf32>
    %convert_element_type3A = arith.truncf %get3A_1 : vector<64x2048xf32> to vector<64x2048xbf16>
    %get3A_2 = arith.constant 0 : index
    %get3A_3 = arith.constant 0 : index
    %get3A_4 = vector.load %arg1[%get3A_2, %get3A_3] : memref<1024x64xf32, #tpu.memory_space<vmem>>, vector<1024x64xf32>
    %convert_element_type3A_5 = arith.truncf %get3A_4 : vector<1024x64xf32> to vector<1024x64xbf16>
    %dot_general3A = arith.constant dense<0.000000e+00> : vector<2048x1024xf32>
    %dot_general3A_6 = tpu.matmul %convert_element_type3A, %convert_element_type3A_5, %dot_general3A {dimension_numbers = #tpu.dot_dimension_numbers<[0], [1], [1], [0], [0, 1, 1, 0], [], []>, transpose_lhs_hint = false} : vector<64x2048xbf16>, vector<1024x64xbf16>, vector<2048x1024xf32> -> vector<2048x1024xf32>
    %get3A_7 = arith.constant 0 : index
    %get3A_8 = vector.load %arg3[%get3A_7] : memref<2048xf32, #tpu.memory_space<vmem>>, vector<2048xf32>
    %broadcast_in_dim3A = vector.shape_cast %get3A_8 : vector<2048xf32> to vector<2048x1xf32>
    %add3A = vector.broadcast %broadcast_in_dim3A : vector<2048x1xf32> to vector<2048x1024xf32>
    %add3A_9 = arith.addf %dot_general3A_6, %add3A : vector<2048x1024xf32>
    %swap3A = arith.constant 0 : index
    %swap3A_10 = arith.constant 0 : index
    %swap3A_11 = vector.load %arg4[%swap3A, %swap3A_10] : memref<2048x1024xf32, #tpu.memory_space<vmem>>, vector<2048x1024xf32>
    tpu.vector_store %arg4[%swap3A, %swap3A_10], %add3A_9 {strides = array<i32>} : memref<2048x1024xf32, #tpu.memory_space<vmem>>, vector<2048x1024xf32>,
    return
  }
  func.func @transform_0(%arg0: i32) -> (i32, i32) {
    %c0_i32 = arith.constant 0 : i32
    %c0_i32_0 = arith.constant 0 : i32
    %c0_i32_1 = arith.constant 0 : i32
    return %c0_i32, %c0_i32_0 : i32, i32
  }
  func.func @transform_1(%arg0: i32) -> (i32, i32) {
    %c0_i32 = arith.constant 0 : i32
    %c0_i32_0 = arith.constant 0 : i32
    return %c0_i32, %arg0 : i32, i32
  }
  func.func @transform_2(%arg0: i32) -> i32 {
    %c0_i32 = arith.constant 0 : i32
    return %arg0 : i32
  }
  func.func @transform_3(%arg0: i32) -> (i32, i32) {
    %c0_i32 = arith.constant 0 : i32
    %c0_i32_0 = arith.constant 0 : i32
    return %arg0, %c0_i32 : i32, i32
  }
}

</mosaic_0001>

<sc_bundles>
// kernel: kernel.4.cloned.1.call-start
scs
__scs_entry_jumppad:
0x0: {  	(pc) =	sbr.rel $0x88, $3  }
0x1: {  	(tag) =	ssettag $0x0;
	lr =	simm.s32 $0x1  }
0x2: {  	[smem:$0x3F9D] =	sst lr;
	_ =	strace $0xD0000000  }
0x3: {  	_ = 	snop  }
0x4: {  	_ = 	snop  }
0x5: {  	_ = 	snop  }
0x6: {  	_ = 	snop  }
0x7: {  	_ = 	snop  }
__scs_overlays_trampoline_lowered:
0x8: {  	[smem:$0x3FAC] =	sst s0  }
0x9: {  	[smem:$0x3FAD] =	sst s1  }
0xa: {  	[smem:$0x3FAE] =	sst s2  }
0xb: {  	[smem:$0x3FAF] =	sst s3  }
0xc: {  	[smem:$0x3FB0] =	sst s4  }
0xd: {  	[smem:$0x3FB1] =	sst s5  }
0xe: {  	[smem:$0x3FB2] =	sst s6  }
0xf: {  	[smem:$0x3FB3] =	sst s7  }
0x10: {  	[smem:$0x3FB4] =	sst s8  }
0x11: {  	[smem:$0x3FB5] =	sst s9;
	s0 =	simm.s32 @!p0 $0x0  }
0x12: {  	s1 =	sld [smem:$0x3F9B];
	s0 =	simm.s32 @p0 $0x1  }
0x13: {  	[smem:$0x3FB6] =	sst s0;
	s0 =	simm.s32 @!p1 $0x0  }
0x14: {  	s2 =	sld [smem:$0x3F9A];
	s0 =	simm.s32 @p1 $0x1  }
0x15: {  	[smem:$0x3FB7] =	sst s0;
	s0 =	simm.s32 @!p2 $0x0  }
0x16: {  	s3 =	sld [smem:$0x3FDB];
	s0 =	simm.s32 @p2 $0x1  }
0x17: {  	s4 =	simm.s32 $0x1BF5;
	[smem:$0x3FB9] =	sst s0  }
0x18: {  	s0 =	sld [smem:$0x3F9C];
	_ =	swait.ge [sflag:s4], $0x0  }
0x19: {  	s7 =	sld [smem:$0x3F9D]  }
0x1a: {  	s8 =	sadd.s32 $0xFFFFE003, lr  }
0x1b: {  	s9 =	sadd.s32 $0xFFFFFEF7, lr;
	s5 =	simm.s32 $0xFFFFFFFF;
	p2 =	slt.u32 s8, $0xFFFFF086  }
0x1c: {  	p1 =	slt.u32 s9, $0xF7A;
	s5 =	simm.s32 @!p2 $0x0  }
0x1d: {  	s5 =	simm.s32 @p1 $0x1;
	p0 =	seq.s32 s7, s2  }
0x1e: {  	s7 =	smul.u32 @!p0 $0xF7A, s2;
	p2 =	seq.s32 @!p0 s5, $0x0  }
0x1f: {  	s9 =	smul.u32 $0xF7A, s1;
	s8 =	simm.s32 @!p0 $0x1BF5;
	p2 =	por !p2, p0  }
0x20: {  	[sflag:s8] =	ssyncset.s32 @!p0 $0xFFFFF086;
	s6 =	sadd.s32 @!p0 s3, s7;
	s7 =	simm.s32 @!p0 $0x108  }
0x21: {  	s3 =	sadd.s32 s3, s9;
	s6 =	sadd.s32 @!p0 $0x88, s6;
	s7 =	simm.s32 @p2 $0x1082  }
0x22: {  	[simem:s7], [sflag:s8] =	dma.local @!p0 [hbm:s6], $0xF7A  }
0x23: {  	s9 =	sor.u32 $0xD0000000, s2;
	s6 =	simm.s32 $0x108;
	_ =	swait.ge @!p0 [sflag:s8], $0x0  }
0x24: {  	s3 =	sadd.s32 $0x88, s3;
	s6 =	simm.s32 @!p1 $0x1082;
	[sflag:s4] =	ssyncset.s32 $0xFFFFF086  }
0x25: {  	[simem:s6], [sflag:s4] =	dma.local [hbm:s3], $0xF7A  }
0x26: {  	[smem:$0x3F9D] =	sst s1;
	(tag) =	ssettag s2;
	_ =	strace s9  }
0x27: {  	s1 =	sld [smem:$0x3FAD]  }
0x28: {  	s2 =	sld [smem:$0x3FAE]  }
0x29: {  	s4 =	sld [smem:$0x3FB0]  }
0x2a: {  	p0 =	seq.s32 s5, $0x0;
	s5 =	sld [smem:$0x3FB1]  }
0x2b: {  	s6 =	sld [smem:$0x3FB2]  }
0x2c: {  	s7 =	sld [smem:$0x3FB3]  }
0x2d: {  	s3 =	simm.s32 $0x108;
	s8 =	sld [smem:$0x3FB4]  }
0x2e: {  	s3 =	simm.s32 @!p0 $0x1082;
	s9 =	sld [smem:$0x3FB5]  }
0x2f: {  	lr =	sadd.s32 s0, s3;
	s0 =	sld [smem:$0x3FAC]  }
0x30: {  	s3 =	sld [smem:$0x3FAF]  }
0x31: {  	[smem:$0x3FB8] =	sst s10  }
0x32: {  	s10 =	sld [smem:$0x3FB6];
	_ =	sdelay $0x3  }
0x33: {  	p0 =	seq.s32 s10, $0x1;
	s10 =	sld [smem:$0x3FB8];
	_ =	sdelay $0x3  }
0x34: {  	[smem:$0x3FB8] =	sst s10  }
0x35: {  	s10 =	sld [smem:$0x3FB7];
	_ =	sdelay $0x3  }
0x36: {  	p1 =	seq.s32 s10, $0x1;
	s10 =	sld [smem:$0x3FB8];
	_ =	sdelay $0x3  }
0x37: {  	[smem:$0x3FB8] =	sst s10  }
0x38: {  	s10 =	sld [smem:$0x3FB9]  }
0x39: {  	_ = 	snop;
	(pc) =	sbr.ind lr, $3  }
0x3a: {  	_ = 	snop  }
0x3b: {  	_ = 	snop  }
0x3c: {  	p2 =	seq.s32 s10, $0x1;
	s10 =	sld [smem:$0x3FB8]  }
0x3d: {  	_ =	shalt  }
0x3e: {  	_ =	shalt  }
0x3f: {  	_ =	shalt  }
0x40: {  	_ =	shalt  }
0x41: {  	_ =	shalt  }
0x42: {  	_ =	shalt  }
0x43: {  	_ =	shalt  }
0x44: {  	_ =	shalt  }
0x45: {  	_ =	shalt  }
0x46: {  	_ =	shalt  }
0x47: {  	_ =	shalt  }
0x48: {  	_ =	shalt  }
0x49: {  	_ =	shalt  }
0x4a: {  	_ =	shalt  }
0x4b: {  	_ =	shalt  }
0x4c: {  	_ =	shalt  }
0x4d: {  	_ =	shalt  }
0x4e: {  	_ =	shalt  }
0x4f: {  	_ =	shalt  }
0x50: {  	_ =	shalt  }
0x51: {  	_ =	shalt  }
0x52: {  	_ =	shalt  }
0x53: {  	_ =	shalt  }
0x54: {  	_ =	shalt  }
0x55: {  	_ =	shalt  }
0x56: {  	_ =	shalt  }
0x57: {  	_ =	shalt  }
0x58: {  	_ =	shalt  }
0x59: {  	_ =	shalt  }
0x5a: {  	_ =	shalt  }
0x5b: {  	_ =	shalt  }
0x5c: {  	_ =	shalt  }
0x5d: {  	_ =	shalt  }
0x5e: {  	_ =	shalt  }
0x5f: {  	_ =	shalt  }
0x60: {  	_ =	shalt  }
0x61: {  	_ =	shalt  }
0x62: {  	_ =	shalt  }
0x63: {  	_ =	shalt  }
0x64: {  	_ =	shalt  }
0x65: {  	_ =	shalt  }
0x66: {  	_ =	shalt  }
0x67: {  	_ =	shalt  }
0x68: {  	_ =	shalt  }
0x69: {  	_ =	shalt  }
0x6a: {  	_ =	shalt  }
0x6b: {  	_ =	shalt  }
0x6c: {  	_ =	shalt  }
0x6d: {  	_ =	shalt  }
0x6e: {  	_ =	shalt  }
0x6f: {  	_ =	shalt  }
0x70: {  	_ =	shalt  }
0x71: {  	_ =	shalt  }
0x72: {  	_ =	shalt  }
0x73: {  	_ =	shalt  }
0x74: {  	_ =	shalt  }
0x75: {  	_ =	shalt  }
0x76: {  	_ =	shalt  }
0x77: {  	_ =	shalt  }
0x78: {  	_ =	shalt  }
0x79: {  	_ =	shalt  }
0x7a: {  	_ =	shalt  }
0x7b: {  	_ =	shalt  }
0x7c: {  	_ =	shalt  }
0x7d: {  	_ =	shalt  }
0x7e: {  	_ =	shalt  }
0x7f: {  	_ =	shalt  }
0x80: {  	_ =	shalt  }
0x81: {  	_ =	shalt  }
0x82: {  	_ =	shalt  }
0x83: {  	_ =	shalt  }
0x84: {  	_ =	shalt  }
0x85: {  	_ =	shalt  }
0x86: {  	_ =	shalt  }
0x87: {  	_ =	shalt  }
.Lfunc_end0:
.L_simem_size_0:
called_computation_lowered:
.L_overlay_start_0:
0x88: {  	s2 =	sld [smem:$0x3FD9]  }
0x89: {  	s3 =	sld [smem:$0x3FFE];
	_ =	sdelay $0x1  }
0x8a: {  	s1 =	srdreg.scid  }
0x8b: {  	s0 =	sand.u32 $0x1, s1  }
0x8c: {  	s17 =	sshll.u32 s0, $0xA;
	s2 =	sadd.s32 s3, s2  }
0x8d: {  	s2 =	sadd.s32 s2, s17  }
0x8e: {  	[smem:$0x3FC4] =	sst s2  }
0x8f: {  	_ = 	snop  }
0x90: {  	s2 =	sld [smem:$0x3FD0];
	(tm) =	ssettm $0x1  }
0x91: {  	s18 =	sld [smem:$0x3FFB];
	_ =	sdelay $0x3  }
0x92: {  	_ =	strace s18  }
0x93: {  	s3 =	sld [smem:$0x3FFC];
	_ =	sdelay $0x3  }
0x94: {  	_ =	strace s3  }
0x95: {  	s3 =	sld [smem:$0x3FFD];
	_ =	sdelay $0x3  }
0x96: {  	_ =	strace s3  }
0x97: {  	_ =	strace $0x8FFFFFFF  }
0x98: {  	s19 =	sld [smem:$0x3FDB];
	_ =	sdelay $0x1  }
0x99: {  	s4 =	simm.s32 $_scs_section_size  }
0x9a: {  	s5 =	simm.s32 $_size__tile_overlayer_lowered;
	s6 =	simm.s32 $_tile_overlayer_lowered  }
0x9b: {  	s22 =	simm.s32 $0x1BFF;
	s21 =	sshll.u32 s6, $0x1;
	s3 =	sadd.s32 s4, s19  }
0x9c: {  	s7 =	simm.s32 $0x0;
	s20 =	sshll.u32 s5, $0x1;
	s5 =	sadd.s32 s21, s3  }
0x9d: {  	[timem:s7], [sflag:s22] =	dma.local [hbm:s5], s20  }
0x9e: {  	_ =	swait.ge [sflag:s22], s20  }
0x9f: {  	s4 =	ssub.s32 $0x0, s20;
	[sflag:s22] =	ssyncset.done $0x0  }
0xa0: {  	[sflag:s22] =	ssyncadd.s32 s4;
	_ =	sdelay $0x1  }
0xa1: {  	s23 =	simm.s32 $0x1B8B  }
0xa2: {  	_ =	swait.ge [sflag:s23], $0x1  }
0xa3: {  	[sflag:s23] =	ssyncset.done $0x0  }
0xa4: {  	s25 =	simm.s32 $0x1B8E;
	s24 =	sld [smem:$0x3FFE];
	[sflag:s23] =	ssyncadd.s32 $0xFFFFFFFF  }
0xa5: {  	s26 =	simm.s32 $execute0_lowered;
	[smem:$0x3FD2] =	sst s25  }
0xa6: {  	s5 =	sshll.u32 s26, $0x1;
	_ =	strace $0x80000046;
	[dreg:$0x1] =	wrdreg $0xFFFFFFFF  }
0xa7: {  	s28 =	simm.s32 $_size_execute0_lowered;
	s3 =	sadd.s32 s3, s5;
	[dreg:$0x0] =	wrdreg $0x0  }
0xa8: {  	s5 =	sshll.u32 s28, $0x1;
	[dreg:$0x2] =	wrdreg s3  }
0xa9: {  	[dreg:$0x3] =	wrdreg s5  }
0xaa: {  	[dreg:$0x4] =	wrdreg $0xC0  }
0xab: {  	_ =	task [dreg:s7], $0x5FFFF  }
0xac: {  	[dreg:$0x1] =	wrdreg $0xFFFFFFFF  }
0xad: {  	[dreg:$0x0] =	wrdreg $0x60  }
0xae: {  	[dreg:$0x2] =	wrdreg s24  }
0xaf: {  	[dreg:$0x3] =	wrdreg s2  }
0xb0: {  	[dreg:$0x4] =	wrdreg $0x9  }
0xb1: {  	_ =	task.clear_ibuf [dreg:s7], $0x5FFFF;
	_ =	strace $0x90000046  }
0xb2: {  	s29 =	simm.s32 $0x9;
	_ =	strace $0x80000048  }
0xb3: {  	_ =	swait.ge [sflag:s29], $0x1  }
0xb4: {  	[sflag:s29] =	ssyncadd.s32 $0xFFFFFFFF  }
0xb5: {  	_ =	strace $0x90000048  }
0xb6: {  	_ =	sfence  }
0xb7: {  	s30 =	sld [smem:$0x0];
	_ =	sdelay $0x2  }
0xb8: {  	s31 =	sshll.u32 s1, $0xD;
	s1 =	sshrl.u32 s1, $0x2  }
0xb9: {  	s3 =	sand.u32 $0x4000, s31;
	s1 =	sadd.s32 s1, s30  }
0xba: {  	s0 =	sor.u32 s3, s0;
	s1 =	sshll.u32 s1, $0x11  }
0xbb: {  	s0 =	sor.u32 s1, s0  }
0xbc: {  	s0 =	sadd.s32 $0x8F2B, s0  }
0xbd: {  	[sflag:s0] =	ssyncadd.remote.s32 $0x1  }
0xbe: {  	_ =	sfence.sel $0xFFFF  }
0xbf: {  	[dreg:$0x0] =	wrdreg $0xFFFFFFFF;
	(pc) =	sbr.abs _section_cstart, $3  }
0xc0: {  	[dreg:$0x1] =	wrdreg $0xFFFFFFFF  }
0xc1: {  	_ =	task.clear_ibuf [dreg:s7], $0x2FFFF;
	_ =	strace $0x9FFFFFFF  }
0xc2: {  	(tm) =	ssettm $0x7FFFFFFF  }
0xc3: {  	_ =	shalt  }
tec
execute0_lowered:
.L_overlay_start_1:
0x0: {  	(tag) =	ssettag $0x1  }
0x1: {  	s1 =	srdreg.scid  }
0x2: {  	s0 =	stileid.u32;
	s3 =	rddreg [dreg:$0x0]  }
0x3: {  	s9 =	rddreg [dreg:$0x1];
	s2 =	simm.s32 $0x0;
	s12 =	simm.s32 $0x80  }
0x4: {  	s13 =	simm.s32 $0x100;
	s14 =	simm.s32 $0x180;
	s15 =	simm.s32 $0x200  }
0x5: {  	s16 =	simm.s32 $0x280;
	s17 =	simm.s32 $0x2280;
	s18 =	simm.s32 $0x4280  }
0x6: {  	s19 =	simm.s32 $0x6280;
	s20 =	simm.s32 $0x8280;
	s21 =	simm.s32 $0x1  }
0x7: {  	s22 =	simm.s32 $0xA280;
	s4 =	sand.u32 $0x1, s1;
	s31 =	sshll.u32 s0, $0x1  }
0x8: {  	s23 =	simm.s32 $0x0;
	s1 =	rddreg [dreg:$0x2];
	s10 =	sor.u32 s4, s31  }
0x9: {  	[smem:$0x7FF] =	sst s2;
	s4 =	ssub.s32 $0x2, s4;
	s5 =	smul.u32 $0x280, s10  }
0xa: {  	_ =	strace $0x80000047;
	s6 =	sshrl.u32 s4, $0x1;
	s10 =	sshll.u32 s10, $0x8  }
0xb: {  	s11 =	ssub.s32 s4, s6;
	s9 =	sadd.s32 s9, s10;
	s5 =	sshrl.u32 s5, $0x3  }
0xc: {  	s10 =	smax.u32 s11, $0x1;
	s11 =	simm.s32 $0x2;
	s8 =	sadd.s32 s5, s3  }
0xd: {  	s3 =	sadd.s32 $0x1000, s3;
	s4 =	sadd.s32 $0x600, s8;
	s5 =	sadd.s32 $0x610, s8  }
0xe: {  	s6 =	sadd.s32 $0x620, s8;
	s7 =	sadd.s32 $0x630, s8;
	s8 =	sadd.s32 $0x640, s8  }
.LBB2_1:
0xf: {  	[tilespmem:s2], [sflag:$0x2] =	stream.linear.gather [hbm4b:s4+s2], $0x80, $0x38;
	[tilespmem:$0xAA80] =	vst v63  }
0x10: {  	_ =	swait.ge [sflag:s11], $0x80  }
0x11: {  	[sflag:s11] =	ssyncset.done $0x0  }
0x12: {  	[sflag:s11] =	ssyncadd.s32 $0xFFFFFF80  }
0x13: {  	[tilespmem:s12], [sflag:$0x2] =	stream.linear.gather [hbm4b:s5+s2], $0x80, $0x38;
	[tilespmem:$0xAA80] =	vst v63  }
0x14: {  	_ =	swait.ge [sflag:s11], $0x80  }
0x15: {  	[sflag:s11] =	ssyncset.done $0x0  }
0x16: {  	[sflag:s11] =	ssyncadd.s32 $0xFFFFFF80  }
0x17: {  	[tilespmem:s13], [sflag:$0x2] =	stream.linear.gather [hbm4b:s6+s2], $0x80, $0x38;
	[tilespmem:$0xAA80] =	vst v63  }
0x18: {  	_ =	swait.ge [sflag:s11], $0x80  }
0x19: {  	[sflag:s11] =	ssyncset.done $0x0  }
0x1a: {  	[sflag:s11] =	ssyncadd.s32 $0xFFFFFF80  }
0x1b: {  	[tilespmem:s14], [sflag:$0x2] =	stream.linear.gather [hbm4b:s7+s2], $0x80, $0x38;
	[tilespmem:$0xAA80] =	vst v63  }
0x1c: {  	_ =	swait.ge [sflag:s11], $0x80  }
0x1d: {  	[sflag:s11] =	ssyncset.done $0x0  }
0x1e: {  	[sflag:s11] =	ssyncadd.s32 $0xFFFFFF80  }
0x1f: {  	[tilespmem:s15], [sflag:$0x2] =	stream.linear.gather [hbm4b:s8+s2], $0x80, $0x38;
	[tilespmem:$0xAA80] =	vst v63  }
0x20: {  	_ =	swait.ge [sflag:s11], $0x80  }
0x21: {  	[sflag:s11] =	ssyncset.done $0x0  }
0x22: {  	[sflag:s11] =	ssyncadd.s32 $0xFFFFFF80  }
0x23: {  	[tilespmem:s16], [sflag:$0x1] =	stream.indirect.gather [hbm4b:s3+s12], $0x40, s2, s12, $0xb8;
	[tilespmem:$0xAA80] =	vst v63  }
0x24: {  	_ = 	snop  }
0x25: {  	[tilespmem:s17], [sflag:$0x1] =	stream.indirect.gather [hbm4b:s3+s12], $0x40, s12, s12, $0xb8;
	[tilespmem:$0xAA80] =	vst v63  }
0x26: {  	_ = 	snop  }
0x27: {  	[tilespmem:s18], [sflag:$0x1] =	stream.indirect.gather [hbm4b:s3+s12], $0x40, s13, s12, $0xb8;
	[tilespmem:$0xAA80] =	vst v63  }
0x28: {  	_ = 	snop  }
0x29: {  	[tilespmem:s19], [sflag:$0x1] =	stream.indirect.gather [hbm4b:s3+s12], $0x40, s14, s12, $0xb8;
	[tilespmem:$0xAA80] =	vst v63  }
0x2a: {  	_ = 	snop  }
0x2b: {  	[tilespmem:s20], [sflag:$0x1] =	stream.indirect.gather [hbm4b:s3+s12], $0x40, s15, s12, $0xb8;
	[tilespmem:$0xAA80] =	vst v63  }
0x2c: {  	_ =	swait.ge [sflag:s21], $0x2000  }
0x2d: {  	[sflag:s21] =	ssyncset.done $0x0  }
0x2e: {  	[sflag:s21] =	ssyncadd.s32 $0xFFFFE000  }
0x2f: {  	_ =	swait.ge [sflag:s21], $0x2000  }
0x30: {  	[sflag:s21] =	ssyncset.done $0x0  }
0x31: {  	[sflag:s21] =	ssyncadd.s32 $0xFFFFE000  }
0x32: {  	_ =	swait.ge [sflag:s21], $0x2000  }
0x33: {  	[sflag:s21] =	ssyncset.done $0x0  }
0x34: {  	[sflag:s21] =	ssyncadd.s32 $0xFFFFE000  }
0x35: {  	_ =	swait.ge [sflag:s21], $0x2000  }
0x36: {  	[sflag:s21] =	ssyncset.done $0x0  }
0x37: {  	[sflag:s21] =	ssyncadd.s32 $0xFFFFE000  }
0x38: {  	_ =	swait.ge [sflag:s21], $0x2000  }
0x39: {  	[sflag:s21] =	ssyncset.done $0x0  }
0x3a: {  	s24 =	simm.s32 $0x500;
	[sflag:s21] =	ssyncadd.s32 $0xFFFFE000  }
0x3b: {  	v0 =	vld [tilespmem:s24+$0xFFFFFDC0]  }
0x3c: {  	v1 =	vld [tilespmem:s24+$0xFFFFFD80];
	_ =	sdelay $0x1  }
0x3d: {  	v2 =	vld [tilespmem:s24+$0xFFFFFE00];
	_ =	sdelay $0x1  }
0x3e: {  	v3 =	vld [tilespmem:s24+$0xFFFFFE40]  }
0x3f: {  	v0 =	vadd.f32 v0, v1  }
0x40: {  	v1 =	vld [tilespmem:s24+$0xFFFFFE80]  }
0x41: {  	v0 =	vadd.f32 v2, v0  }
0x42: {  	v2 =	vld [tilespmem:s24+$0xFFFFFEC0]  }
0x43: {  	v0 =	vadd.f32 v3, v0  }
0x44: {  	v3 =	vld [tilespmem:s24+$0xFFFFFF00]  }
0x45: {  	v0 =	vadd.f32 v1, v0  }
0x46: {  	v1 =	vld [tilespmem:s24+$0xFFFFFF40]  }
0x47: {  	v0 =	vadd.f32 v2, v0  }
0x48: {  	v2 =	vld [tilespmem:s24+$0xFFFFFF80]  }
0x49: {  	v0 =	vadd.f32 v3, v0  }
0x4a: {  	v3 =	vld [tilespmem:s24+$0xFFFFFFC0]  }
0x4b: {  	v0 =	vadd.f32 v1, v0  }
0x4c: {  	v1 =	vld [tilespmem:s24+$0x0]  }
0x4d: {  	v0 =	vadd.f32 v2, v0  }
0x4e: {  	v2 =	vld [tilespmem:s24+$0x40]  }
0x4f: {  	v0 =	vadd.f32 v3, v0  }
0x50: {  	v3 =	vld [tilespmem:s24+$0x80]  }
0x51: {  	v0 =	vadd.f32 v1, v0  }
0x52: {  	v1 =	vld [tilespmem:s24+$0xC0]  }
0x53: {  	v0 =	vadd.f32 v2, v0  }
0x54: {  	v2 =	vld [tilespmem:s24+$0x100]  }
0x55: {  	v0 =	vadd.f32 v3, v0  }
0x56: {  	v3 =	vld [tilespmem:s24+$0x140]  }
0x57: {  	v0 =	vadd.f32 v1, v0  }
0x58: {  	v1 =	vld [tilespmem:s24+$0x180]  }
0x59: {  	v0 =	vadd.f32 v2, v0  }
0x5a: {  	v2 =	vld [tilespmem:s24+$0x1C0]  }
0x5b: {  	v0 =	vadd.f32 v3, v0  }
0x5c: {  	v3 =	vld [tilespmem:s24+$0x200]  }
0x5d: {  	v0 =	vadd.f32 v1, v0  }
0x5e: {  	v1 =	vld [tilespmem:s24+$0x240]  }
0x5f: {  	v0 =	vadd.f32 v2, v0;
	_ =	sdelay $0x1  }
0x60: {  	v0 =	vadd.f32 v3, v0;
	_ =	sdelay $0x1  }
0x61: {  	v0 =	vadd.f32 v1, v0  }
0x62: {  	s25 =	simm.s32 $0x0  }
0x63: {  	[tilespmem:s25+$0xA280] =	vst v0  }
0x64: {  	v0 =	vld [tilespmem:s24+$0xFFFFFD90]  }
0x65: {  	v1 =	vld [tilespmem:s24+$0xFFFFFDD0];
	_ =	sdelay $0x1  }
0x66: {  	v2 =	vld [tilespmem:s24+$0xFFFFFE10];
	_ =	sdelay $0x1  }
0x67: {  	v3 =	vld [tilespmem:s24+$0xFFFFFE50]  }
0x68: {  	v0 =	vadd.f32 v1, v0  }
0x69: {  	v1 =	vld [tilespmem:s24+$0xFFFFFE90]  }
0x6a: {  	v0 =	vadd.f32 v2, v0  }
0x6b: {  	v2 =	vld [tilespmem:s24+$0xFFFFFED0]  }
0x6c: {  	v0 =	vadd.f32 v3, v0  }
0x6d: {  	v3 =	vld [tilespmem:s24+$0xFFFFFF10]  }
0x6e: {  	v0 =	vadd.f32 v1, v0  }
0x6f: {  	v1 =	vld [tilespmem:s24+$0xFFFFFF50]  }
0x70: {  	v0 =	vadd.f32 v2, v0  }
0x71: {  	v2 =	vld [tilespmem:s24+$0xFFFFFF90]  }
0x72: {  	v0 =	vadd.f32 v3, v0  }
0x73: {  	v3 =	vld [tilespmem:s24+$0xFFFFFFD0]  }
0x74: {  	v0 =	vadd.f32 v1, v0  }
0x75: {  	v1 =	vld [tilespmem:s24+$0x10]  }
0x76: {  	v0 =	vadd.f32 v2, v0  }
0x77: {  	v2 =	vld [tilespmem:s24+$0x50]  }
0x78: {  	v0 =	vadd.f32 v3, v0  }
0x79: {  	v3 =	vld [tilespmem:s24+$0x90]  }
0x7a: {  	v0 =	vadd.f32 v1, v0  }
0x7b: {  	v1 =	vld [tilespmem:s24+$0xD0]  }
0x7c: {  	v0 =	vadd.f32 v2, v0  }
0x7d: {  	v2 =	vld [tilespmem:s24+$0x110]  }
0x7e: {  	v0 =	vadd.f32 v3, v0  }
0x7f: {  	v3 =	vld [tilespmem:s24+$0x150]  }
0x80: {  	v0 =	vadd.f32 v1, v0  }
0x81: {  	v1 =	vld [tilespmem:s24+$0x190]  }
0x82: {  	v0 =	vadd.f32 v2, v0  }
0x83: {  	v2 =	vld [tilespmem:s24+$0x1D0]  }
0x84: {  	v0 =	vadd.f32 v3, v0  }
0x85: {  	v3 =	vld [tilespmem:s24+$0x210]  }
0x86: {  	v0 =	vadd.f32 v1, v0  }
0x87: {  	v1 =	vld [tilespmem:s24+$0x250]  }
0x88: {  	v0 =	vadd.f32 v2, v0;
	_ =	sdelay $0x1  }
0x89: {  	v0 =	vadd.f32 v3, v0;
	_ =	sdelay $0x1  }
0x8a: {  	v0 =	vadd.f32 v1, v0;
	_ =	sdelay $0x1  }
0x8b: {  	[tilespmem:s25+$0xA290] =	vst v0  }
0x8c: {  	v0 =	vld [tilespmem:s24+$0xFFFFFDA0]  }
0x8d: {  	v1 =	vld [tilespmem:s24+$0xFFFFFDE0];
	_ =	sdelay $0x1  }
0x8e: {  	v2 =	vld [tilespmem:s24+$0xFFFFFE20];
	_ =	sdelay $0x1  }
0x8f: {  	v3 =	vld [tilespmem:s24+$0xFFFFFE60]  }
0x90: {  	v0 =	vadd.f32 v1, v0  }
0x91: {  	v1 =	vld [tilespmem:s24+$0xFFFFFEA0]  }
0x92: {  	v0 =	vadd.f32 v2, v0  }
0x93: {  	v2 =	vld [tilespmem:s24+$0xFFFFFEE0]  }
0x94: {  	v0 =	vadd.f32 v3, v0  }
0x95: {  	v3 =	vld [tilespmem:s24+$0xFFFFFF20]  }
0x96: {  	v0 =	vadd.f32 v1, v0  }
0x97: {  	v1 =	vld [tilespmem:s24+$0xFFFFFF60]  }
0x98: {  	v0 =	vadd.f32 v2, v0  }
0x99: {  	v2 =	vld [tilespmem:s24+$0xFFFFFFA0]  }
0x9a: {  	v0 =	vadd.f32 v3, v0  }
0x9b: {  	v3 =	vld [tilespmem:s24+$0xFFFFFFE0]  }
0x9c: {  	v0 =	vadd.f32 v1, v0  }
0x9d: {  	v1 =	vld [tilespmem:s24+$0x20]  }
0x9e: {  	v0 =	vadd.f32 v2, v0  }
0x9f: {  	v2 =	vld [tilespmem:s24+$0x60]  }
0xa0: {  	v0 =	vadd.f32 v3, v0  }
0xa1: {  	v3 =	vld [tilespmem:s24+$0xA0]  }
0xa2: {  	v0 =	vadd.f32 v1, v0  }
0xa3: {  	v1 =	vld [tilespmem:s24+$0xE0]  }
0xa4: {  	v0 =	vadd.f32 v2, v0  }
0xa5: {  	v2 =	vld [tilespmem:s24+$0x120]  }
0xa6: {  	v0 =	vadd.f32 v3, v0  }
0xa7: {  	v3 =	vld [tilespmem:s24+$0x160]  }
0xa8: {  	v0 =	vadd.f32 v1, v0  }
0xa9: {  	v1 =	vld [tilespmem:s24+$0x1A0]  }
0xaa: {  	v0 =	vadd.f32 v2, v0  }
0xab: {  	v2 =	vld [tilespmem:s24+$0x1E0]  }
0xac: {  	v0 =	vadd.f32 v3, v0  }
0xad: {  	v3 =	vld [tilespmem:s24+$0x220]  }
0xae: {  	v0 =	vadd.f32 v1, v0  }
0xaf: {  	v1 =	vld [tilespmem:s24+$0x260]  }
0xb0: {  	v0 =	vadd.f32 v2, v0;
	_ =	sdelay $0x1  }
0xb1: {  	v0 =	vadd.f32 v3, v0;
	_ =	sdelay $0x1  }
0xb2: {  	v0 =	vadd.f32 v1, v0;
	_ =	sdelay $0x1  }
0xb3: {  	[tilespmem:s25+$0xA2A0] =	vst v0  }
0xb4: {  	v0 =	vld [tilespmem:s24+$0xFFFFFDB0]  }
0xb5: {  	v1 =	vld [tilespmem:s24+$0xFFFFFDF0];
	_ =	sdelay $0x1  }
0xb6: {  	v2 =	vld [tilespmem:s24+$0xFFFFFE30];
	_ =	sdelay $0x1  }
0xb7: {  	v3 =	vld [tilespmem:s24+$0xFFFFFE70]  }
0xb8: {  	v0 =	vadd.f32 v1, v0  }
0xb9: {  	v1 =	vld [tilespmem:s24+$0xFFFFFEB0]  }
0xba: {  	v0 =	vadd.f32 v2, v0  }
0xbb: {  	v2 =	vld [tilespmem:s24+$0xFFFFFEF0]  }
0xbc: {  	v0 =	vadd.f32 v3, v0  }
0xbd: {  	v3 =	vld [tilespmem:s24+$0xFFFFFF30]  }
0xbe: {  	v0 =	vadd.f32 v1, v0  }
0xbf: {  	v1 =	vld [tilespmem:s24+$0xFFFFFF70]  }
0xc0: {  	v0 =	vadd.f32 v2, v0  }
0xc1: {  	v2 =	vld [tilespmem:s24+$0xFFFFFFB0]  }
0xc2: {  	v0 =	vadd.f32 v3, v0  }
0xc3: {  	v3 =	vld [tilespmem:s24+$0xFFFFFFF0]  }
0xc4: {  	v0 =	vadd.f32 v1, v0  }
0xc5: {  	v1 =	vld [tilespmem:s24+$0x30]  }
0xc6: {  	v0 =	vadd.f32 v2, v0  }
0xc7: {  	v2 =	vld [tilespmem:s24+$0x70]  }
0xc8: {  	v0 =	vadd.f32 v3, v0  }
0xc9: {  	v3 =	vld [tilespmem:s24+$0xB0]  }
0xca: {  	v0 =	vadd.f32 v1, v0  }
0xcb: {  	v1 =	vld [tilespmem:s24+$0xF0]  }
0xcc: {  	v0 =	vadd.f32 v2, v0  }
0xcd: {  	v2 =	vld [tilespmem:s24+$0x130]  }
0xce: {  	v0 =	vadd.f32 v3, v0  }
0xcf: {  	v3 =	vld [tilespmem:s24+$0x170]  }
0xd0: {  	v0 =	vadd.f32 v1, v0  }
0xd1: {  	v1 =	vld [tilespmem:s24+$0x1B0]  }
0xd2: {  	v0 =	vadd.f32 v2, v0;
	_ =	sdelay $0x1  }
0xd3: {  	v2 =	vld [tilespmem:s24+$0x1F0];
	v0 =	vadd.f32 v3, v0;
	_ =	sdelay $0x1  }
0xd4: {  	v3 =	vadd.f32 v1, v0;
	v1 =	vld [tilespmem:s24+$0x230];
	_ =	sdelay $0x1  }
0xd5: {  	v0 =	vld [tilespmem:s24+$0x270]  }
0xd6: {  	s26 =	simm.s32 $0x100;
	v2 =	vadd.f32 v2, v3  }
.LBB2_2:
0xd7: {  	p0 =	sne.s32 s26, $0x1F00  }
0xd8: {  	s24 =	sadd.s32 $0x500, s24;
	s28 =	smov.u32 s26;
	s26 =	sadd.s32 $0x100, s26;
	v1 =	vadd.f32 v1, v2  }
0xd9: {  	_ = 	snop  }
0xda: {  	v0 =	vadd.f32 v0, v1;
	_ =	sdelay $0x1  }
0xdb: {  	[tilespmem:s25+$0xA2B0] =	vst v0  }
0xdc: {  	v0 =	vld [tilespmem:s24+$0xFFFFFDC0]  }
0xdd: {  	v1 =	vld [tilespmem:s24+$0xFFFFFD80];
	_ =	sdelay $0x1  }
0xde: {  	v2 =	vld [tilespmem:s24+$0xFFFFFE00];
	_ =	sdelay $0x1  }
0xdf: {  	v3 =	vld [tilespmem:s24+$0xFFFFFE40]  }
0xe0: {  	v0 =	vadd.f32 v0, v1  }
0xe1: {  	v1 =	vld [tilespmem:s24+$0xFFFFFE80]  }
0xe2: {  	v0 =	vadd.f32 v2, v0  }
0xe3: {  	v2 =	vld [tilespmem:s24+$0xFFFFFEC0]  }
0xe4: {  	v0 =	vadd.f32 v3, v0  }
0xe5: {  	v3 =	vld [tilespmem:s24+$0xFFFFFF00]  }
0xe6: {  	v0 =	vadd.f32 v1, v0  }
0xe7: {  	v1 =	vld [tilespmem:s24+$0xFFFFFF40]  }
0xe8: {  	v0 =	vadd.f32 v2, v0  }
0xe9: {  	v2 =	vld [tilespmem:s24+$0xFFFFFF80]  }
0xea: {  	v0 =	vadd.f32 v3, v0  }
0xeb: {  	v3 =	vld [tilespmem:s24+$0xFFFFFFC0]  }
0xec: {  	v0 =	vadd.f32 v1, v0  }
0xed: {  	v1 =	vld [tilespmem:s24+$0x0]  }
0xee: {  	v0 =	vadd.f32 v2, v0  }
0xef: {  	v2 =	vld [tilespmem:s24+$0x40]  }
0xf0: {  	v0 =	vadd.f32 v3, v0  }
0xf1: {  	v3 =	vld [tilespmem:s24+$0x80]  }
0xf2: {  	v0 =	vadd.f32 v1, v0  }
0xf3: {  	v1 =	vld [tilespmem:s24+$0xC0]  }
0xf4: {  	v0 =	vadd.f32 v2, v0  }
0xf5: {  	v2 =	vld [tilespmem:s24+$0x100]  }
0xf6: {  	v0 =	vadd.f32 v3, v0  }
0xf7: {  	v3 =	vld [tilespmem:s24+$0x140]  }
0xf8: {  	v0 =	vadd.f32 v1, v0  }
0xf9: {  	v1 =	vld [tilespmem:s24+$0x180]  }
0xfa: {  	v0 =	vadd.f32 v2, v0  }
0xfb: {  	v2 =	vld [tilespmem:s24+$0x1C0]  }
0xfc: {  	v0 =	vadd.f32 v3, v0  }
0xfd: {  	v3 =	vld [tilespmem:s24+$0x200]  }
0xfe: {  	v0 =	vadd.f32 v1, v0  }
0xff: {  	v1 =	vld [tilespmem:s24+$0x240]  }
0x100: {  	v0 =	vadd.f32 v2, v0;
	_ =	sdelay $0x1  }
0x101: {  	v0 =	vadd.f32 v3, v0;
	_ =	sdelay $0x1  }
0x102: {  	v0 =	vadd.f32 v1, v0  }
0x103: {  	s25 =	sshra.s32 s28, $0x2  }
0x104: {  	[tilespmem:s25+$0xA280] =	vst v0  }
0x105: {  	v0 =	vld [tilespmem:s24+$0xFFFFFD90]  }
0x106: {  	v1 =	vld [tilespmem:s24+$0xFFFFFDD0];
	_ =	sdelay $0x1  }
0x107: {  	v2 =	vld [tilespmem:s24+$0xFFFFFE10];
	_ =	sdelay $0x1  }
0x108: {  	v3 =	vld [tilespmem:s24+$0xFFFFFE50]  }
0x109: {  	v0 =	vadd.f32 v1, v0  }
0x10a: {  	v1 =	vld [tilespmem:s24+$0xFFFFFE90]  }
0x10b: {  	v0 =	vadd.f32 v2, v0  }
0x10c: {  	v2 =	vld [tilespmem:s24+$0xFFFFFED0]  }
0x10d: {  	v0 =	vadd.f32 v3, v0  }
0x10e: {  	v3 =	vld [tilespmem:s24+$0xFFFFFF10]  }
0x10f: {  	v0 =	vadd.f32 v1, v0  }
0x110: {  	v1 =	vld [tilespmem:s24+$0xFFFFFF50]  }
0x111: {  	v0 =	vadd.f32 v2, v0  }
0x112: {  	v2 =	vld [tilespmem:s24+$0xFFFFFF90]  }
0x113: {  	v0 =	vadd.f32 v3, v0  }
0x114: {  	v3 =	vld [tilespmem:s24+$0xFFFFFFD0]  }
0x115: {  	v0 =	vadd.f32 v1, v0  }
0x116: {  	v1 =	vld [tilespmem:s24+$0x10]  }
0x117: {  	v0 =	vadd.f32 v2, v0  }
0x118: {  	v2 =	vld [tilespmem:s24+$0x50]  }
0x119: {  	v0 =	vadd.f32 v3, v0  }
0x11a: {  	v3 =	vld [tilespmem:s24+$0x90]  }
0x11b: {  	v0 =	vadd.f32 v1, v0  }
0x11c: {  	v1 =	vld [tilespmem:s24+$0xD0]  }
0x11d: {  	v0 =	vadd.f32 v2, v0  }
0x11e: {  	v2 =	vld [tilespmem:s24+$0x110]  }
0x11f: {  	v0 =	vadd.f32 v3, v0  }
0x120: {  	v3 =	vld [tilespmem:s24+$0x150]  }
0x121: {  	v0 =	vadd.f32 v1, v0  }
0x122: {  	v1 =	vld [tilespmem:s24+$0x190]  }
0x123: {  	v0 =	vadd.f32 v2, v0  }
0x124: {  	v2 =	vld [tilespmem:s24+$0x1D0]  }
0x125: {  	v0 =	vadd.f32 v3, v0  }
0x126: {  	v3 =	vld [tilespmem:s24+$0x210]  }
0x127: {  	v0 =	vadd.f32 v1, v0  }
0x128: {  	v1 =	vld [tilespmem:s24+$0x250]  }
0x129: {  	v0 =	vadd.f32 v2, v0;
	_ =	sdelay $0x1  }
0x12a: {  	v0 =	vadd.f32 v3, v0;
	_ =	sdelay $0x1  }
0x12b: {  	v0 =	vadd.f32 v1, v0;
	_ =	sdelay $0x1  }
0x12c: {  	[tilespmem:s25+$0xA290] =	vst v0  }
0x12d: {  	v0 =	vld [tilespmem:s24+$0xFFFFFDA0]  }
0x12e: {  	v1 =	vld [tilespmem:s24+$0xFFFFFDE0];
	_ =	sdelay $0x1  }
0x12f: {  	v2 =	vld [tilespmem:s24+$0xFFFFFE20];
	_ =	sdelay $0x1  }
0x130: {  	v3 =	vld [tilespmem:s24+$0xFFFFFE60]  }
0x131: {  	v0 =	vadd.f32 v1, v0  }
0x132: {  	v1 =	vld [tilespmem:s24+$0xFFFFFEA0]  }
0x133: {  	v0 =	vadd.f32 v2, v0  }
0x134: {  	v2 =	vld [tilespmem:s24+$0xFFFFFEE0]  }
0x135: {  	v0 =	vadd.f32 v3, v0  }
0x136: {  	v3 =	vld [tilespmem:s24+$0xFFFFFF20]  }
0x137: {  	v0 =	vadd.f32 v1, v0  }
0x138: {  	v1 =	vld [tilespmem:s24+$0xFFFFFF60]  }
0x139: {  	v0 =	vadd.f32 v2, v0  }
0x13a: {  	v2 =	vld [tilespmem:s24+$0xFFFFFFA0]  }
0x13b: {  	v0 =	vadd.f32 v3, v0  }
0x13c: {  	v3 =	vld [tilespmem:s24+$0xFFFFFFE0]  }
0x13d: {  	v0 =	vadd.f32 v1, v0  }
0x13e: {  	v1 =	vld [tilespmem:s24+$0x20]  }
0x13f: {  	v0 =	vadd.f32 v2, v0  }
0x140: {  	v2 =	vld [tilespmem:s24+$0x60]  }
0x141: {  	v0 =	vadd.f32 v3, v0  }
0x142: {  	v3 =	vld [tilespmem:s24+$0xA0]  }
0x143: {  	v0 =	vadd.f32 v1, v0  }
0x144: {  	v1 =	vld [tilespmem:s24+$0xE0]  }
0x145: {  	v0 =	vadd.f32 v2, v0  }
0x146: {  	v2 =	vld [tilespmem:s24+$0x120]  }
0x147: {  	v0 =	vadd.f32 v3, v0  }
0x148: {  	v3 =	vld [tilespmem:s24+$0x160]  }
0x149: {  	v0 =	vadd.f32 v1, v0  }
0x14a: {  	v1 =	vld [tilespmem:s24+$0x1A0]  }
0x14b: {  	v0 =	vadd.f32 v2, v0  }
0x14c: {  	v2 =	vld [tilespmem:s24+$0x1E0]  }
0x14d: {  	v0 =	vadd.f32 v3, v0  }
0x14e: {  	v3 =	vld [tilespmem:s24+$0x220]  }
0x14f: {  	v0 =	vadd.f32 v1, v0  }
0x150: {  	v1 =	vld [tilespmem:s24+$0x260]  }
0x151: {  	v0 =	vadd.f32 v2, v0;
	_ =	sdelay $0x1  }
0x152: {  	v0 =	vadd.f32 v3, v0;
	_ =	sdelay $0x1  }
0x153: {  	v0 =	vadd.f32 v1, v0;
	_ =	sdelay $0x1  }
0x154: {  	[tilespmem:s25+$0xA2A0] =	vst v0  }
0x155: {  	v0 =	vld [tilespmem:s24+$0xFFFFFDB0]  }
0x156: {  	v1 =	vld [tilespmem:s24+$0xFFFFFDF0]  }
0x157: {  	v2 =	vld [tilespmem:s24+$0xFFFFFE30]  }
0x158: {  	v3 =	vld [tilespmem:s24+$0xFFFFFE70]  }
0x159: {  	v4 =	vld [tilespmem:s24+$0xFFFFFEB0]  }
0x15a: {  	v5 =	vld [tilespmem:s24+$0xFFFFFEF0]  }
0x15b: {  	v0 =	vadd.f32 v1, v0;
	v1 =	vld [tilespmem:s24+$0xFFFFFF30]  }
0x15c: {  	v6 =	vld [tilespmem:s24+$0xFFFFFF70]  }
0x15d: {  	v0 =	vadd.f32 v2, v0;
	v2 =	vld [tilespmem:s24+$0xFFFFFFB0]  }
0x15e: {  	v7 =	vld [tilespmem:s24+$0xFFFFFFF0]  }
0x15f: {  	v0 =	vadd.f32 v3, v0;
	v3 =	vld [tilespmem:s24+$0x30]  }
0x160: {  	v8 =	vld [tilespmem:s24+$0x70]  }
0x161: {  	v0 =	vadd.f32 v4, v0;
	v4 =	vld [tilespmem:s24+$0xB0]  }
0x162: {  	v9 =	vld [tilespmem:s24+$0xF0]  }
0x163: {  	v0 =	vadd.f32 v5, v0;
	v5 =	vld [tilespmem:s24+$0x130]  }
0x164: {  	v10 =	vld [tilespmem:s24+$0x170]  }
0x165: {  	v0 =	vadd.f32 v1, v0;
	v11 =	vld [tilespmem:s24+$0x1B0]  }
0x166: {  	v12 =	vld [tilespmem:s24+$0x1F0]  }
0x167: {  	v6 =	vadd.f32 v6, v0;
	v1 =	vld [tilespmem:s24+$0x230]  }
0x168: {  	v0 =	vld [tilespmem:s24+$0x270]  }
0x169: {  	v2 =	vadd.f32 v2, v6;
	_ =	sdelay $0x1  }
0x16a: {  	v2 =	vadd.f32 v7, v2;
	_ =	sdelay $0x1  }
0x16b: {  	v2 =	vadd.f32 v3, v2;
	_ =	sdelay $0x1  }
0x16c: {  	v2 =	vadd.f32 v8, v2;
	_ =	sdelay $0x1  }
0x16d: {  	v2 =	vadd.f32 v4, v2;
	_ =	sdelay $0x1  }
0x16e: {  	v2 =	vadd.f32 v9, v2;
	_ =	sdelay $0x1  }
0x16f: {  	v2 =	vadd.f32 v5, v2;
	_ =	sdelay $0x1  }
.Ltmp0:
0x170: {  	v2 =	vadd.f32 v10, v2;
	(pc) =	sbr.rel @p0 .LBB2_2-.Ltmp0, $3  }
0x171: {  	_ = 	snop  }
0x172: {  	v2 =	vadd.f32 v11, v2;
	_ =	sdelay $0x1  }
0x173: {  	v2 =	vadd.f32 v12, v2  }
0x174: {  	_ = 	snop  }
0x175: {  	v1 =	vadd.f32 v1, v2;
	_ =	sdelay $0x1  }
0x176: {  	s23 =	sadd.s32 $0x1, s23;
	v0 =	vadd.f32 v0, v1  }
0x177: {  	p0 =	sne.s32 s23, s10  }
.Ltmp1:
0x178: {  	[tilespmem:s25+$0xA2B0] =	vst v0;
	(pc) =	sbr.rel @p0 .LBB2_1-.Ltmp1, $4  }
0x179: {  	[hbm4b:s9+s2] =	stream.linear.scatter [tilespmem:s22], [sflag:$0x2], $0x800, $0x38;
	[tilespmem:$0xAA80] =	vst v63  }
0x17a: {  	_ =	swait.ge [sflag:s11], $0x800  }
0x17b: {  	[sflag:s11] =	ssyncset.done $0x0  }
0x17c: {  	[sflag:s11] =	ssyncadd.s32 $0xFFFFF800  }
0x17d: {  	_ =	sfence.sel $0x180000  }
0x17e: {  	[bflag:$0x0] =	sbarrier.arrive $0xFFFF  }
0x17f: {  	p0 =	sne.s32 s0, $0x0;
	_ =	strace $0x90000047  }
0x180: {  	s0 =	sadd.s32 @!p0 $0x100000, s1;
	[bflag:$0x2] =	sbarrier.arrive $0xFFFF  }
0x181: {  	[sflag:s0] =	ssyncadd.tile.s32 @!p0 $0x1;
	_ =	shalt  }
.Lfunc_end2:
_tile_overlayer_lowered:
.L_overlay_start_2:
0x182: {  	(tag) =	ssettag $0x2  }
0x183: {  	s0 =	rddreg [dreg:$0x0];
	s2 =	stileid.u32  }
0x184: {  	s1 =	rddreg [dreg:$0x1];
	p0 =	sne.s32 s2, $0x0  }
0x185: {  	s3 =	rddreg [dreg:$0x2];
	[bflag:$0x3] =	sbarrier.arrive $0xFFFF;
	s2 =	simm.s32 @!p0 $0x1C02  }
0x186: {  	[timem:s3], [sflag:s2] =	dma.local @!p0 [hbm:s0], s1  }
0x187: {  	s0 =	simm.s32 @!p0 $0x2  }
0x188: {  	_ =	swait.ge @!p0 [sflag:s0], s1  }
0x189: {  	s1 =	ssub.s32 @!p0 $0x0, s1;
	[sflag:s0] =	ssyncset.done @!p0 $0x0  }
0x18a: {  	[sflag:s0] =	ssyncadd.s32 @!p0 s1  }
0x18b: {  	[bflag:$0x3] =	sbarrier.arrive $0xFFFF  }
0x18c: {  	_ =	shalt  }

</sc_bundles>
